<compile_context>
chip_gen: v7x
topology: tpu7x:2x2x1
jax: 0.10.2.dev20260603
libtpu: 0.0.44.dev20260713+nightly
codegen_flags: <defaults>
</compile_context>

<pallas_src>
import jax
import jax.numpy as jnp
from jax import lax
from jax.experimental import pallas as pl
from jax.experimental.pallas import tpu as pltpu
from jax.experimental.pallas import tpu_sc as plsc

EMBED = 64
BATCH = 4096
NUM_NEG = 100
L2_LAMBDA = 0.001
LANE = 128
NC, NS = 2, 16
NW = NC * NS
B_PER_W = BATCH // NW
NEG_PAD = 256
NEG_PER_W = NEG_PAD // NW
J = 128


def _hash_u01(x):
    h = x.astype(jnp.uint32)
    h = h ^ (h >> 16)
    h = h * jnp.uint32(0x85EBCA6B)
    h = h ^ (h >> 13)
    h = h * jnp.uint32(0xC2B2AE35)
    h = h ^ (h >> 16)
    return (h >> 8).astype(jnp.float32) * jnp.float32(1.0 / (1 << 24))


def _uniforms_row(rel):
    q = lax.broadcasted_iota(jnp.int32, (1, J), 1)
    stratum = q % NUM_NEG
    v = _hash_u01(q + rel * 65536)
    return (stratum.astype(jnp.float32) + v) * jnp.float32(1.0 / NUM_NEG)


def _sample_from_cdf(d_col, d_row, u_row, n_valid):
    R = d_col.shape[0]
    ones_lane = jnp.ones((LANE, 1), jnp.float32)
    t_col = jax.lax.dot_general(d_col, ones_lane, (((1,), (0,)), ((), ())),
                                preferred_element_type=jnp.float32)
    r_i = lax.broadcasted_iota(jnp.int32, (R, R), 0)
    r_j = lax.broadcasted_iota(jnp.int32, (R, R), 1)
    tri_ge = (r_j <= r_i).astype(jnp.float32)
    c_incl = jax.lax.dot_general(tri_ge, t_col, (((1,), (0,)), ((), ())),
                                 preferred_element_type=jnp.float32)
    l_i = lax.broadcasted_iota(jnp.int32, (LANE, LANE), 0)
    l_j = lax.broadcasted_iota(jnp.int32, (LANE, LANE), 1)
    tri_lane = (l_j <= l_i).astype(jnp.float32)
    p_t = jax.lax.dot_general(tri_lane, d_row, (((1,), (0,)), ((), ())),
                              preferred_element_type=jnp.float32)
    m = (c_incl <= u_row).astype(jnp.float32)
    r_sel = jnp.sum(m.astype(jnp.int32), axis=0, keepdims=True)
    c_excl_sel = jnp.max(m * c_incl, axis=0, keepdims=True)
    u_res = u_row - c_excl_sel
    iota_r = lax.broadcasted_iota(jnp.int32, (R, 1), 0)
    onehot = (iota_r == r_sel).astype(jnp.float32)
    row_pref = jax.lax.dot_general(p_t, onehot, (((1,), (0,)), ((), ())),
                                   preferred_element_type=jnp.float32)
    l_sel = jnp.sum((row_pref <= u_res).astype(jnp.int32), axis=0,
                    keepdims=True)
    idx = r_sel * LANE + l_sel
    return jnp.clip(idx, 0, n_valid - 1)


def _sample_kernel(sd_col_ref, sd_row_ref, wd_col_ref, wd_row_ref, out_ref):
    u_s = _uniforms_row(0)
    idx_s = _sample_from_cdf(sd_col_ref[...], sd_row_ref[...], u_s, 1000)
    u_uw = _uniforms_row(1)
    u_sw = _uniforms_row(2)
    u_w = jnp.concatenate([u_uw, u_sw], axis=1)
    idx_w = _sample_from_cdf(wd_col_ref[...], wd_row_ref[...], u_w, 100000)
    idx_uw = idx_w[:, :J]
    idx_sw = idx_w[:, J:]
    out_ref[...] = jnp.concatenate(
        [idx_s, idx_uw, idx_sw, idx_s, idx_s, idx_s, idx_s, idx_s], axis=0)


def _sample_call(stock_distrib, word_distrib):
    rs = 8
    rw = 784
    sd = jnp.pad(stock_distrib, (0, rs * LANE - stock_distrib.shape[0]))
    wd = jnp.pad(word_distrib, (0, rw * LANE - word_distrib.shape[0]))
    sd_col = sd.reshape(rs, LANE)
    wd_col = wd.reshape(rw, LANE)
    sd_row = sd_col.T
    wd_row = wd_col.T
    out = pl.pallas_call(
        _sample_kernel,
        out_shape=jax.ShapeDtypeStruct((8, J), jnp.int32),
    )(sd_col, sd_row, wd_col, wd_row)
    return out[0], out[1], out[2]


def _gather_body(author_hbm, stock_hbm, word_hbm,
                 uidx_hbm, sidx_hbm, widx_hbm,
                 nsidx_hbm, nw1idx_hbm, nw2idx_hbm,
                 a_out, s_out, w_out,
                 ns_out, nw1_out, nw2_out,
                 idx_v, nidx_v, rows_v, nrows_v, sem):
    wid = lax.axis_index("s") * NC + lax.axis_index("c")
    base = wid * B_PER_W
    nbase = wid * NEG_PER_W

    main_idx = (uidx_hbm, sidx_hbm, widx_hbm)
    main_tab = (author_hbm, stock_hbm, word_hbm)
    main_out = (a_out, s_out, w_out)
    neg_idx = (nsidx_hbm, nw1idx_hbm, nw2idx_hbm)
    neg_tab = (stock_hbm, word_hbm, word_hbm)
    neg_out = (ns_out, nw1_out, nw2_out)

    for i in range(3):
        pltpu.sync_copy(main_idx[i].at[pl.ds(base, B_PER_W)], idx_v.at[i])
        pltpu.sync_copy(neg_idx[i].at[pl.ds(nbase, NEG_PER_W)], nidx_v.at[i])

    copies = []
    for i in range(3):
        copies.append(pltpu.async_copy(main_tab[i].at[idx_v.at[i]],
                                       rows_v.at[i], sem))
        copies.append(pltpu.async_copy(neg_tab[i].at[nidx_v.at[i]],
                                       nrows_v.at[i], sem))
    for c in copies:
        c.wait()

    for i in range(3):
        pltpu.sync_copy(rows_v.at[i], main_out[i].at[pl.ds(base, B_PER_W)])
        pltpu.sync_copy(nrows_v.at[i],
                        neg_out[i].at[pl.ds(nbase, NEG_PER_W)])


def _gather_call(a2d, s2d, w2d,
                 user_idxs, stock_idxs, word_idxs,
                 neg_s_idx, neg_w1_idx, neg_w2_idx):
    f32 = jnp.float32
    i32 = jnp.int32
    out_type = (
        jax.ShapeDtypeStruct((BATCH, EMBED), f32),
        jax.ShapeDtypeStruct((BATCH, EMBED), f32),
        jax.ShapeDtypeStruct((BATCH, EMBED), f32),
        jax.ShapeDtypeStruct((NEG_PAD, EMBED), f32),
        jax.ShapeDtypeStruct((NEG_PAD, EMBED), f32),
        jax.ShapeDtypeStruct((NEG_PAD, EMBED), f32),
    )
    mesh = plsc.VectorSubcoreMesh(core_axis_name="c", subcore_axis_name="s")
    run = pl.kernel(
        _gather_body,
        out_type=out_type,
        mesh=mesh,
        compiler_params=pltpu.CompilerParams(use_tc_tiling_on_sc=False),
        scratch_types=[
            pltpu.VMEM((3, B_PER_W), i32),
            pltpu.VMEM((3, NEG_PER_W), i32),
            pltpu.VMEM((3, B_PER_W, EMBED), f32),
            pltpu.VMEM((3, NEG_PER_W, EMBED), f32),
            pltpu.SemaphoreType.DMA,
        ],
    )
    return run(a2d, s2d, w2d,
               user_idxs, stock_idxs, word_idxs,
               neg_s_idx, neg_w1_idx, neg_w2_idx)


def _softplus(x):
    return jnp.log(1.0 + jnp.exp(x))


def _fold_rel(v):
    return jnp.concatenate([v, v], axis=1)


def _unfold_neg(n2):
    return jnp.concatenate([n2[:, :EMBED], n2[:, EMBED:]], axis=0)


def _rel_loss(head2, tail2, neg2, rel_vec, neg_col_mask, neg_row_mask):
    e2 = head2 + _fold_rel(rel_vec)
    p = e2 * tail2
    pos_e = jnp.sum(p[:, :EMBED], axis=1, keepdims=True)
    pos_o = jnp.sum(p[:, EMBED:], axis=1, keepdims=True)
    pos_sum = jnp.sum(_softplus(-pos_e)) + jnp.sum(_softplus(-pos_o))
    negm = _unfold_neg(neg2)
    dn = (((1,), (1,)), ((), ()))
    nl_e = jax.lax.dot_general(e2[:, :EMBED], negm, dn,
                               preferred_element_type=jnp.float32)
    nl_o = jax.lax.dot_general(e2[:, EMBED:], negm, dn,
                               preferred_element_type=jnp.float32)
    neg_sum = (jnp.sum(_softplus(nl_e) * neg_col_mask)
               + jnp.sum(_softplus(nl_o) * neg_col_mask))
    loss = (pos_sum + neg_sum) * (1.0 / BATCH)
    l2 = (jnp.sqrt(jnp.sum(head2 * head2)) + jnp.sqrt(jnp.sum(tail2 * tail2))
          + jnp.sqrt(jnp.sum(neg2 * neg2 * neg_row_mask)))
    return loss + L2_LAMBDA * l2


def _loss_kernel(a_ref, s_ref, w_ref, ns_ref, nw1_ref, nw2_ref,
                 fv_ref, mv_ref, dv_ref, out_ref):
    half = NUM_NEG // 2
    cidx = lax.broadcasted_iota(jnp.int32, (1, NEG_PAD), 1)
    col_mask = ((cidx < half)
                | ((cidx >= NEG_PAD // 2)
                   & (cidx < NEG_PAD // 2 + half))).astype(jnp.float32)
    row_mask = (lax.broadcasted_iota(jnp.int32, (NEG_PAD // 2, 1), 0)
                < half).astype(jnp.float32)
    a = a_ref[...]
    s = s_ref[...]
    w = w_ref[...]
    total = (_rel_loss(a, s, ns_ref[...], fv_ref[...], col_mask, row_mask)
             + _rel_loss(a, w, nw1_ref[...], mv_ref[...], col_mask, row_mask)
             + _rel_loss(s, w, nw2_ref[...], dv_ref[...], col_mask, row_mask))
    out_ref[...] = jnp.full((1, 1), 0.0, jnp.float32) + total


def _loss_call(a2, s2, w2, ns2, nw12, nw22, fv, mv, dv):
    return pl.pallas_call(
        _loss_kernel,
        out_shape=jax.ShapeDtypeStruct((1, 1), jnp.float32),
    )(a2, s2, w2, ns2, nw12, nw22, fv, mv, dv)


def kernel(user_idxs, stock_idxs, word_idxs, author_table, stock_table,
           word_table, follow_vec, mention_vec, described_as_vec, follow_bias,
           mention_bias, described_as_bias, stock_distrib, word_distrib):
    neg_s, neg_uw, neg_sw = _sample_call(stock_distrib, word_distrib)
    zpad = jnp.zeros((NEG_PAD - J,), jnp.int32)

    def untile(t):
        flat = jax.lax.optimization_barrier(t.reshape(-1))
        return flat.reshape(t.shape)

    (af, sf, wf, nsf, nw1f, nw2f) = _gather_call(
        untile(author_table), untile(stock_table), untile(word_table),
        user_idxs, stock_idxs, word_idxs,
        jnp.concatenate([neg_s, zpad]), jnp.concatenate([neg_uw, zpad]),
        jnp.concatenate([neg_sw, zpad]))
    fold = (BATCH // 2, 2 * EMBED)
    nfold = (NEG_PAD // 2, 2 * EMBED)
    out = _loss_call(af.reshape(fold), sf.reshape(fold), wf.reshape(fold),
                     nsf.reshape(nfold), nw1f.reshape(nfold),
                     nw2f.reshape(nfold),
                     follow_vec, mention_vec, described_as_vec)
    return out.reshape(())

# --- scband reference (transcript-rebuilt; emitter-appended) ---
"""Pipeline reference for scband-scimodel-73787538145746 (READ-ONLY COPY).

The authoritative reference and input builder live on the scoring server;
editing this copy changes nothing except your own understanding.
"""

import jax, jax.numpy as jnp
import numpy as np

AUTHOR_SIZE = 100000
STOCK_SIZE = 1000
WORD_SIZE = 100000
EMBED = 64
BATCH = 4096
NUM_NEG = 100
L2_LAMBDA = 0.001


def _xavier(key, shape):
    a = float(np.sqrt(6.0 / (shape[0] + shape[1])))
    return jax.random.uniform(key, shape, minval=-a, maxval=a, dtype=jnp.float32)


def _distrib(key, n):
    d = jax.random.uniform(key, (n,), minval=0.1, maxval=1.0, dtype=jnp.float32)
    p = jnp.power(d, 0.75)
    return p / p.sum()


def setup_inputs(seed: int = 0) -> dict:
    key = jax.random.key(seed)
    ks = jax.random.split(key, 12)
    return {
        "user_idxs": jax.random.randint(ks[0], (BATCH,), 0, AUTHOR_SIZE),
        "stock_idxs": jax.random.randint(ks[1], (BATCH,), 0, STOCK_SIZE),
        "word_idxs": jax.random.randint(ks[2], (BATCH,), 0, WORD_SIZE),
        "author_table": _xavier(ks[3], (AUTHOR_SIZE + 1, EMBED)),
        "stock_table": _xavier(ks[4], (STOCK_SIZE + 1, EMBED)),
        "word_table": _xavier(ks[5], (WORD_SIZE + 1, EMBED)),
        "follow_vec": _xavier(ks[6], (1, EMBED)),
        "mention_vec": _xavier(ks[7], (1, EMBED)),
        "described_as_vec": _xavier(ks[8], (1, EMBED)),
        "follow_bias": jnp.zeros((STOCK_SIZE + 1, 1), jnp.float32),
        "mention_bias": jnp.zeros((WORD_SIZE + 1, 1), jnp.float32),
        "described_as_bias": jnp.zeros((WORD_SIZE + 1, 1), jnp.float32),
        "stock_distrib": _distrib(ks[9], STOCK_SIZE),
        "word_distrib": _distrib(ks[10], WORD_SIZE),
    }


def _kg_neg_loss(head_table, tail_table, head_idxs, tail_idxs, rel_vec, rel_bias, distrib, key):
    head_vec = jnp.take(head_table, head_idxs, axis=0)
    example_vec = head_vec + rel_vec
    tail_vec = jnp.take(tail_table, tail_idxs, axis=0)
    relation_bias = jnp.take(rel_bias, tail_idxs, axis=0)[:, 0]
    pos_logits = jnp.sum(example_vec * tail_vec, axis=1) + relation_bias
    pos_loss = -jnp.log(jax.nn.sigmoid(pos_logits))
    neg_idx = jax.random.categorical(key, jnp.log(distrib), shape=(NUM_NEG,))
    neg_vec = jnp.take(tail_table, neg_idx, axis=0)
    neg_logits = example_vec @ neg_vec.T + relation_bias[:, None]
    neg_loss = -jnp.log(jax.nn.sigmoid(-neg_logits)).sum(axis=1)
    loss = jnp.mean(pos_loss + neg_loss)
    return loss, [head_vec, tail_vec, neg_vec]


def reference(user_idxs, stock_idxs, word_idxs, author_table, stock_table, word_table,
              follow_vec, mention_vec, described_as_vec, follow_bias, mention_bias,
              described_as_bias, stock_distrib, word_distrib):
    k1, k2, k3 = jax.random.split(jax.random.key(42), 3)
    us_loss, us_e = _kg_neg_loss(author_table, stock_table, user_idxs, stock_idxs,
                                 follow_vec, follow_bias, stock_distrib, k1)
    uw_loss, uw_e = _kg_neg_loss(author_table, word_table, user_idxs, word_idxs,
                                 mention_vec, mention_bias, word_distrib, k2)
    sw_loss, sw_e = _kg_neg_loss(stock_table, word_table, stock_idxs, word_idxs,
                                 described_as_vec, described_as_bias, word_distrib, k3)
    loss = us_loss + uw_loss + sw_loss
    l2 = 0.0
    for t in us_e + uw_e + sw_e:
        l2 = l2 + jnp.linalg.norm(t)
    return loss + L2_LAMBDA * l2

if __name__ == "__main__":
    import jax
    _d = setup_inputs()
    print(jax.jit(kernel)(*tuple(_d.values())))

</pallas_src>

<mosaic_0001>
#map = affine_map<(d0, d1) -> (0, 0)>
#map1 = affine_map<(d0, d1) -> (0)>
module attributes {stable_mosaic.version = 14 : i64} {
  func.func @_gather_body(%arg0: i32, %arg1: i32, %arg2: memref<100001x64xf32, #tpu.memory_space<hbm>>, %arg3: memref<1001x64xf32, #tpu.memory_space<hbm>>, %arg4: memref<100001x64xf32, #tpu.memory_space<hbm>>, %arg5: memref<4096xi32, #tpu.memory_space<hbm>>, %arg6: memref<4096xi32, #tpu.memory_space<hbm>>, %arg7: memref<4096xi32, #tpu.memory_space<hbm>>, %arg8: memref<256xi32, #tpu.memory_space<hbm>>, %arg9: memref<256xi32, #tpu.memory_space<hbm>>, %arg10: memref<256xi32, #tpu.memory_space<hbm>>, %arg11: memref<4096x64xf32, #tpu.memory_space<hbm>>, %arg12: memref<4096x64xf32, #tpu.memory_space<hbm>>, %arg13: memref<4096x64xf32, #tpu.memory_space<hbm>>, %arg14: memref<256x64xf32, #tpu.memory_space<hbm>>, %arg15: memref<256x64xf32, #tpu.memory_space<hbm>>, %arg16: memref<256x64xf32, #tpu.memory_space<hbm>>, %arg17: memref<3x128xi32, #tpu.memory_space<vmem>>, %arg18: memref<3x8xi32, #tpu.memory_space<vmem>>, %arg19: memref<3x128x64xf32, #tpu.memory_space<vmem>>, %arg20: memref<3x8x64xf32, #tpu.memory_space<vmem>>, %arg21: memref<!tpu.dma_semaphore, #tpu.memory_space<semaphore_mem>>) attributes {dimension_semantics = [#tpu.dimension_semantics<core_parallel>, #tpu.dimension_semantics<subcore_parallel>], iteration_bounds = array<i64: 2, 16>, scalar_prefetch = 0 : i64, scratch_operands = 5 : i64, tpu.core_type = #tpu.core_type<sc_vector_subcore>, window_params = [{transform_indices = #map}, {transform_indices = #map}, {transform_indices = #map}, {transform_indices = #map1}, {transform_indices = #map1}, {transform_indices = #map1}, {transform_indices = #map1}, {transform_indices = #map1}, {transform_indices = #map1}, {transform_indices = #map}, {transform_indices = #map}, {transform_indices = #map}, {transform_indices = #map}, {transform_indices = #map}, {transform_indices = #map}]} {
    %mul3A = arith.constant 2 : i32
    %mul3A_0 = arith.muli %arg1, %mul3A : i32
    %add3A = arith.addi %mul3A_0, %arg0 : i32
    %mul3A_1 = arith.constant 128 : i32
    %mul3A_2 = arith.muli %add3A, %mul3A_1 : i32
    %mul3A_3 = arith.constant 8 : i32
    %mul3A_4 = arith.muli %add3A, %mul3A_3 : i32
    %run_scoped3A = arith.constant 0 : i32
    "tpu.region"() ({
      %run_scoped3A_158 = tpu.sem_alloc : memref<!tpu.dma_semaphore, #tpu.memory_space<semaphore_mem>>
      %dma_start3A_159 = arith.constant 0 : i32
      %dma_start3A_160 = tpu.memref_slice %arg17[%run_scoped3A, %dma_start3A_159] : memref<3x128xi32, #tpu.memory_space<vmem>> -> memref<1x128xi32, #tpu.memory_space<vmem>>
      %dma_start3A_161 = tpu.memref_squeeze %dma_start3A_160 : memref<1x128xi32, #tpu.memory_space<vmem>> -> memref<128xi32, #tpu.memory_space<vmem>>
      %dma_start3A_162 = tpu.memref_slice %arg5[%mul3A_2] : memref<4096xi32, #tpu.memory_space<hbm>> -> memref<128xi32, #tpu.memory_space<hbm>>
      %dma_start3A_163 = arith.constant 0 : i32
      %dma_start3A_164 = tpu.memref_slice %arg17[%run_scoped3A, %dma_start3A_163] : memref<3x128xi32, #tpu.memory_space<vmem>> -> memref<1x128xi32, #tpu.memory_space<vmem>>
      %dma_start3A_165 = tpu.memref_squeeze %dma_start3A_164 : memref<1x128xi32, #tpu.memory_space<vmem>> -> memref<128xi32, #tpu.memory_space<vmem>>
      %dma_start3A_166 = tpu.memref_slice %arg5[%mul3A_2] : memref<4096xi32, #tpu.memory_space<hbm>> -> memref<128xi32, #tpu.memory_space<hbm>>
      tpu.enqueue_dma source(%dma_start3A_166 : memref<128xi32, #tpu.memory_space<hbm>>) target(%dma_start3A_165 : memref<128xi32, #tpu.memory_space<vmem>>) target_semaphore(%run_scoped3A_158 : memref<!tpu.dma_semaphore, #tpu.memory_space<semaphore_mem>>)
      %dma_wait3A_167 = arith.constant 0 : i32
      %dma_wait3A_168 = tpu.memref_slice %arg17[%run_scoped3A, %dma_wait3A_167] : memref<3x128xi32, #tpu.memory_space<vmem>> -> memref<1x128xi32, #tpu.memory_space<vmem>>
      %dma_wait3A_169 = tpu.memref_squeeze %dma_wait3A_168 : memref<1x128xi32, #tpu.memory_space<vmem>> -> memref<128xi32, #tpu.memory_space<vmem>>
      %dma_wait3A_170 = tpu.memref_slice %arg5[%mul3A_2] : memref<4096xi32, #tpu.memory_space<hbm>> -> memref<128xi32, #tpu.memory_space<hbm>>
      %dma_wait3A_171 = arith.constant 0 : i32
      %dma_wait3A_172 = tpu.memref_slice %arg17[%run_scoped3A, %dma_wait3A_171] : memref<3x128xi32, #tpu.memory_space<vmem>> -> memref<1x128xi32, #tpu.memory_space<vmem>>
      %dma_wait3A_173 = tpu.memref_squeeze %dma_wait3A_172 : memref<1x128xi32, #tpu.memory_space<vmem>> -> memref<128xi32, #tpu.memory_space<vmem>>
      %dma_wait3A_174 = tpu.memref_slice %arg5[%mul3A_2] : memref<4096xi32, #tpu.memory_space<hbm>> -> memref<128xi32, #tpu.memory_space<hbm>>
      tpu.wait_dma2 semaphore(%run_scoped3A_158 : memref<!tpu.dma_semaphore, #tpu.memory_space<semaphore_mem>>) src(%dma_wait3A_174 : memref<128xi32, #tpu.memory_space<hbm>>) dst(%dma_wait3A_173 : memref<128xi32, #tpu.memory_space<vmem>>)
      tpu.yield
    }) : () -> ()
    %run_scoped3A_5 = arith.constant 0 : i32
    "tpu.region"() ({
      %run_scoped3A_158 = tpu.sem_alloc : memref<!tpu.dma_semaphore, #tpu.memory_space<semaphore_mem>>
      %dma_start3A_159 = arith.constant 0 : i32
      %dma_start3A_160 = tpu.memref_slice %arg18[%run_scoped3A_5, %dma_start3A_159] : memref<3x8xi32, #tpu.memory_space<vmem>> -> memref<1x8xi32, #tpu.memory_space<vmem>>
      %dma_start3A_161 = tpu.memref_squeeze %dma_start3A_160 : memref<1x8xi32, #tpu.memory_space<vmem>> -> memref<8xi32, #tpu.memory_space<vmem>>
      %dma_start3A_162 = tpu.memref_slice %arg8[%mul3A_4] : memref<256xi32, #tpu.memory_space<hbm>> -> memref<8xi32, #tpu.memory_space<hbm>>
      %dma_start3A_163 = arith.constant 0 : i32
      %dma_start3A_164 = tpu.memref_slice %arg18[%run_scoped3A_5, %dma_start3A_163] : memref<3x8xi32, #tpu.memory_space<vmem>> -> memref<1x8xi32, #tpu.memory_space<vmem>>
      %dma_start3A_165 = tpu.memref_squeeze %dma_start3A_164 : memref<1x8xi32, #tpu.memory_space<vmem>> -> memref<8xi32, #tpu.memory_space<vmem>>
      %dma_start3A_166 = tpu.memref_slice %arg8[%mul3A_4] : memref<256xi32, #tpu.memory_space<hbm>> -> memref<8xi32, #tpu.memory_space<hbm>>
      tpu.enqueue_dma source(%dma_start3A_166 : memref<8xi32, #tpu.memory_space<hbm>>) target(%dma_start3A_165 : memref<8xi32, #tpu.memory_space<vmem>>) target_semaphore(%run_scoped3A_158 : memref<!tpu.dma_semaphore, #tpu.memory_space<semaphore_mem>>)
      %dma_wait3A_167 = arith.constant 0 : i32
      %dma_wait3A_168 = tpu.memref_slice %arg18[%run_scoped3A_5, %dma_wait3A_167] : memref<3x8xi32, #tpu.memory_space<vmem>> -> memref<1x8xi32, #tpu.memory_space<vmem>>
      %dma_wait3A_169 = tpu.memref_squeeze %dma_wait3A_168 : memref<1x8xi32, #tpu.memory_space<vmem>> -> memref<8xi32, #tpu.memory_space<vmem>>
      %dma_wait3A_170 = tpu.memref_slice %arg8[%mul3A_4] : memref<256xi32, #tpu.memory_space<hbm>> -> memref<8xi32, #tpu.memory_space<hbm>>
      %dma_wait3A_171 = arith.constant 0 : i32
      %dma_wait3A_172 = tpu.memref_slice %arg18[%run_scoped3A_5, %dma_wait3A_171] : memref<3x8xi32, #tpu.memory_space<vmem>> -> memref<1x8xi32, #tpu.memory_space<vmem>>
      %dma_wait3A_173 = tpu.memref_squeeze %dma_wait3A_172 : memref<1x8xi32, #tpu.memory_space<vmem>> -> memref<8xi32, #tpu.memory_space<vmem>>
      %dma_wait3A_174 = tpu.memref_slice %arg8[%mul3A_4] : memref<256xi32, #tpu.memory_space<hbm>> -> memref<8xi32, #tpu.memory_space<hbm>>
      tpu.wait_dma2 semaphore(%run_scoped3A_158 : memref<!tpu.dma_semaphore, #tpu.memory_space<semaphore_mem>>) src(%dma_wait3A_174 : memref<8xi32, #tpu.memory_space<hbm>>) dst(%dma_wait3A_173 : memref<8xi32, #tpu.memory_space<vmem>>)
      tpu.yield
    }) : () -> ()
    %run_scoped3A_6 = arith.constant 1 : i32
    "tpu.region"() ({
      %run_scoped3A_158 = tpu.sem_alloc : memref<!tpu.dma_semaphore, #tpu.memory_space<semaphore_mem>>
      %dma_start3A_159 = arith.constant 0 : i32
      %dma_start3A_160 = tpu.memref_slice %arg17[%run_scoped3A_6, %dma_start3A_159] : memref<3x128xi32, #tpu.memory_space<vmem>> -> memref<1x128xi32, #tpu.memory_space<vmem>>
      %dma_start3A_161 = tpu.memref_squeeze %dma_start3A_160 : memref<1x128xi32, #tpu.memory_space<vmem>> -> memref<128xi32, #tpu.memory_space<vmem>>
      %dma_start3A_162 = tpu.memref_slice %arg6[%mul3A_2] : memref<4096xi32, #tpu.memory_space<hbm>> -> memref<128xi32, #tpu.memory_space<hbm>>
      %dma_start3A_163 = arith.constant 0 : i32
      %dma_start3A_164 = tpu.memref_slice %arg17[%run_scoped3A_6, %dma_start3A_163] : memref<3x128xi32, #tpu.memory_space<vmem>> -> memref<1x128xi32, #tpu.memory_space<vmem>>
      %dma_start3A_165 = tpu.memref_squeeze %dma_start3A_164 : memref<1x128xi32, #tpu.memory_space<vmem>> -> memref<128xi32, #tpu.memory_space<vmem>>
      %dma_start3A_166 = tpu.memref_slice %arg6[%mul3A_2] : memref<4096xi32, #tpu.memory_space<hbm>> -> memref<128xi32, #tpu.memory_space<hbm>>
      tpu.enqueue_dma source(%dma_start3A_166 : memref<128xi32, #tpu.memory_space<hbm>>) target(%dma_start3A_165 : memref<128xi32, #tpu.memory_space<vmem>>) target_semaphore(%run_scoped3A_158 : memref<!tpu.dma_semaphore, #tpu.memory_space<semaphore_mem>>)
      %dma_wait3A_167 = arith.constant 0 : i32
      %dma_wait3A_168 = tpu.memref_slice %arg17[%run_scoped3A_6, %dma_wait3A_167] : memref<3x128xi32, #tpu.memory_space<vmem>> -> memref<1x128xi32, #tpu.memory_space<vmem>>
      %dma_wait3A_169 = tpu.memref_squeeze %dma_wait3A_168 : memref<1x128xi32, #tpu.memory_space<vmem>> -> memref<128xi32, #tpu.memory_space<vmem>>
      %dma_wait3A_170 = tpu.memref_slice %arg6[%mul3A_2] : memref<4096xi32, #tpu.memory_space<hbm>> -> memref<128xi32, #tpu.memory_space<hbm>>
      %dma_wait3A_171 = arith.constant 0 : i32
      %dma_wait3A_172 = tpu.memref_slice %arg17[%run_scoped3A_6, %dma_wait3A_171] : memref<3x128xi32, #tpu.memory_space<vmem>> -> memref<1x128xi32, #tpu.memory_space<vmem>>
      %dma_wait3A_173 = tpu.memref_squeeze %dma_wait3A_172 : memref<1x128xi32, #tpu.memory_space<vmem>> -> memref<128xi32, #tpu.memory_space<vmem>>
      %dma_wait3A_174 = tpu.memref_slice %arg6[%mul3A_2] : memref<4096xi32, #tpu.memory_space<hbm>> -> memref<128xi32, #tpu.memory_space<hbm>>
      tpu.wait_dma2 semaphore(%run_scoped3A_158 : memref<!tpu.dma_semaphore, #tpu.memory_space<semaphore_mem>>) src(%dma_wait3A_174 : memref<128xi32, #tpu.memory_space<hbm>>) dst(%dma_wait3A_173 : memref<128xi32, #tpu.memory_space<vmem>>)
      tpu.yield
    }) : () -> ()
    %run_scoped3A_7 = arith.constant 1 : i32
    "tpu.region"() ({
      %run_scoped3A_158 = tpu.sem_alloc : memref<!tpu.dma_semaphore, #tpu.memory_space<semaphore_mem>>
      %dma_start3A_159 = arith.constant 0 : i32
      %dma_start3A_160 = tpu.memref_slice %arg18[%run_scoped3A_7, %dma_start3A_159] : memref<3x8xi32, #tpu.memory_space<vmem>> -> memref<1x8xi32, #tpu.memory_space<vmem>>
      %dma_start3A_161 = tpu.memref_squeeze %dma_start3A_160 : memref<1x8xi32, #tpu.memory_space<vmem>> -> memref<8xi32, #tpu.memory_space<vmem>>
      %dma_start3A_162 = tpu.memref_slice %arg9[%mul3A_4] : memref<256xi32, #tpu.memory_space<hbm>> -> memref<8xi32, #tpu.memory_space<hbm>>
      %dma_start3A_163 = arith.constant 0 : i32
      %dma_start3A_164 = tpu.memref_slice %arg18[%run_scoped3A_7, %dma_start3A_163] : memref<3x8xi32, #tpu.memory_space<vmem>> -> memref<1x8xi32, #tpu.memory_space<vmem>>
      %dma_start3A_165 = tpu.memref_squeeze %dma_start3A_164 : memref<1x8xi32, #tpu.memory_space<vmem>> -> memref<8xi32, #tpu.memory_space<vmem>>
      %dma_start3A_166 = tpu.memref_slice %arg9[%mul3A_4] : memref<256xi32, #tpu.memory_space<hbm>> -> memref<8xi32, #tpu.memory_space<hbm>>
      tpu.enqueue_dma source(%dma_start3A_166 : memref<8xi32, #tpu.memory_space<hbm>>) target(%dma_start3A_165 : memref<8xi32, #tpu.memory_space<vmem>>) target_semaphore(%run_scoped3A_158 : memref<!tpu.dma_semaphore, #tpu.memory_space<semaphore_mem>>)
      %dma_wait3A_167 = arith.constant 0 : i32
      %dma_wait3A_168 = tpu.memref_slice %arg18[%run_scoped3A_7, %dma_wait3A_167] : memref<3x8xi32, #tpu.memory_space<vmem>> -> memref<1x8xi32, #tpu.memory_space<vmem>>
      %dma_wait3A_169 = tpu.memref_squeeze %dma_wait3A_168 : memref<1x8xi32, #tpu.memory_space<vmem>> -> memref<8xi32, #tpu.memory_space<vmem>>
      %dma_wait3A_170 = tpu.memref_slice %arg9[%mul3A_4] : memref<256xi32, #tpu.memory_space<hbm>> -> memref<8xi32, #tpu.memory_space<hbm>>
      %dma_wait3A_171 = arith.constant 0 : i32
      %dma_wait3A_172 = tpu.memref_slice %arg18[%run_scoped3A_7, %dma_wait3A_171] : memref<3x8xi32, #tpu.memory_space<vmem>> -> memref<1x8xi32, #tpu.memory_space<vmem>>
      %dma_wait3A_173 = tpu.memref_squeeze %dma_wait3A_172 : memref<1x8xi32, #tpu.memory_space<vmem>> -> memref<8xi32, #tpu.memory_space<vmem>>
      %dma_wait3A_174 = tpu.memref_slice %arg9[%mul3A_4] : memref<256xi32, #tpu.memory_space<hbm>> -> memref<8xi32, #tpu.memory_space<hbm>>
      tpu.wait_dma2 semaphore(%run_scoped3A_158 : memref<!tpu.dma_semaphore, #tpu.memory_space<semaphore_mem>>) src(%dma_wait3A_174 : memref<8xi32, #tpu.memory_space<hbm>>) dst(%dma_wait3A_173 : memref<8xi32, #tpu.memory_space<vmem>>)
      tpu.yield
    }) : () -> ()
    %run_scoped3A_8 = arith.constant 2 : i32
    "tpu.region"() ({
      %run_scoped3A_158 = tpu.sem_alloc : memref<!tpu.dma_semaphore, #tpu.memory_space<semaphore_mem>>
      %dma_start3A_159 = arith.constant 0 : i32
      %dma_start3A_160 = tpu.memref_slice %arg17[%run_scoped3A_8, %dma_start3A_159] : memref<3x128xi32, #tpu.memory_space<vmem>> -> memref<1x128xi32, #tpu.memory_space<vmem>>
      %dma_start3A_161 = tpu.memref_squeeze %dma_start3A_160 : memref<1x128xi32, #tpu.memory_space<vmem>> -> memref<128xi32, #tpu.memory_space<vmem>>
      %dma_start3A_162 = tpu.memref_slice %arg7[%mul3A_2] : memref<4096xi32, #tpu.memory_space<hbm>> -> memref<128xi32, #tpu.memory_space<hbm>>
      %dma_start3A_163 = arith.constant 0 : i32
      %dma_start3A_164 = tpu.memref_slice %arg17[%run_scoped3A_8, %dma_start3A_163] : memref<3x128xi32, #tpu.memory_space<vmem>> -> memref<1x128xi32, #tpu.memory_space<vmem>>
      %dma_start3A_165 = tpu.memref_squeeze %dma_start3A_164 : memref<1x128xi32, #tpu.memory_space<vmem>> -> memref<128xi32, #tpu.memory_space<vmem>>
      %dma_start3A_166 = tpu.memref_slice %arg7[%mul3A_2] : memref<4096xi32, #tpu.memory_space<hbm>> -> memref<128xi32, #tpu.memory_space<hbm>>
      tpu.enqueue_dma source(%dma_start3A_166 : memref<128xi32, #tpu.memory_space<hbm>>) target(%dma_start3A_165 : memref<128xi32, #tpu.memory_space<vmem>>) target_semaphore(%run_scoped3A_158 : memref<!tpu.dma_semaphore, #tpu.memory_space<semaphore_mem>>)
      %dma_wait3A_167 = arith.constant 0 : i32
      %dma_wait3A_168 = tpu.memref_slice %arg17[%run_scoped3A_8, %dma_wait3A_167] : memref<3x128xi32, #tpu.memory_space<vmem>> -> memref<1x128xi32, #tpu.memory_space<vmem>>
      %dma_wait3A_169 = tpu.memref_squeeze %dma_wait3A_168 : memref<1x128xi32, #tpu.memory_space<vmem>> -> memref<128xi32, #tpu.memory_space<vmem>>
      %dma_wait3A_170 = tpu.memref_slice %arg7[%mul3A_2] : memref<4096xi32, #tpu.memory_space<hbm>> -> memref<128xi32, #tpu.memory_space<hbm>>
      %dma_wait3A_171 = arith.constant 0 : i32
      %dma_wait3A_172 = tpu.memref_slice %arg17[%run_scoped3A_8, %dma_wait3A_171] : memref<3x128xi32, #tpu.memory_space<vmem>> -> memref<1x128xi32, #tpu.memory_space<vmem>>
      %dma_wait3A_173 = tpu.memref_squeeze %dma_wait3A_172 : memref<1x128xi32, #tpu.memory_space<vmem>> -> memref<128xi32, #tpu.memory_space<vmem>>
      %dma_wait3A_174 = tpu.memref_slice %arg7[%mul3A_2] : memref<4096xi32, #tpu.memory_space<hbm>> -> memref<128xi32, #tpu.memory_space<hbm>>
      tpu.wait_dma2 semaphore(%run_scoped3A_158 : memref<!tpu.dma_semaphore, #tpu.memory_space<semaphore_mem>>) src(%dma_wait3A_174 : memref<128xi32, #tpu.memory_space<hbm>>) dst(%dma_wait3A_173 : memref<128xi32, #tpu.memory_space<vmem>>)
      tpu.yield
    }) : () -> ()
    %run_scoped3A_9 = arith.constant 2 : i32
    "tpu.region"() ({
      %run_scoped3A_158 = tpu.sem_alloc : memref<!tpu.dma_semaphore, #tpu.memory_space<semaphore_mem>>
      %dma_start3A_159 = arith.constant 0 : i32
      %dma_start3A_160 = tpu.memref_slice %arg18[%run_scoped3A_9, %dma_start3A_159] : memref<3x8xi32, #tpu.memory_space<vmem>> -> memref<1x8xi32, #tpu.memory_space<vmem>>
      %dma_start3A_161 = tpu.memref_squeeze %dma_start3A_160 : memref<1x8xi32, #tpu.memory_space<vmem>> -> memref<8xi32, #tpu.memory_space<vmem>>
      %dma_start3A_162 = tpu.memref_slice %arg10[%mul3A_4] : memref<256xi32, #tpu.memory_space<hbm>> -> memref<8xi32, #tpu.memory_space<hbm>>
      %dma_start3A_163 = arith.constant 0 : i32
      %dma_start3A_164 = tpu.memref_slice %arg18[%run_scoped3A_9, %dma_start3A_163] : memref<3x8xi32, #tpu.memory_space<vmem>> -> memref<1x8xi32, #tpu.memory_space<vmem>>
      %dma_start3A_165 = tpu.memref_squeeze %dma_start3A_164 : memref<1x8xi32, #tpu.memory_space<vmem>> -> memref<8xi32, #tpu.memory_space<vmem>>
      %dma_start3A_166 = tpu.memref_slice %arg10[%mul3A_4] : memref<256xi32, #tpu.memory_space<hbm>> -> memref<8xi32, #tpu.memory_space<hbm>>
      tpu.enqueue_dma source(%dma_start3A_166 : memref<8xi32, #tpu.memory_space<hbm>>) target(%dma_start3A_165 : memref<8xi32, #tpu.memory_space<vmem>>) target_semaphore(%run_scoped3A_158 : memref<!tpu.dma_semaphore, #tpu.memory_space<semaphore_mem>>)
      %dma_wait3A_167 = arith.constant 0 : i32
      %dma_wait3A_168 = tpu.memref_slice %arg18[%run_scoped3A_9, %dma_wait3A_167] : memref<3x8xi32, #tpu.memory_space<vmem>> -> memref<1x8xi32, #tpu.memory_space<vmem>>
      %dma_wait3A_169 = tpu.memref_squeeze %dma_wait3A_168 : memref<1x8xi32, #tpu.memory_space<vmem>> -> memref<8xi32, #tpu.memory_space<vmem>>
      %dma_wait3A_170 = tpu.memref_slice %arg10[%mul3A_4] : memref<256xi32, #tpu.memory_space<hbm>> -> memref<8xi32, #tpu.memory_space<hbm>>
      %dma_wait3A_171 = arith.constant 0 : i32
      %dma_wait3A_172 = tpu.memref_slice %arg18[%run_scoped3A_9, %dma_wait3A_171] : memref<3x8xi32, #tpu.memory_space<vmem>> -> memref<1x8xi32, #tpu.memory_space<vmem>>
      %dma_wait3A_173 = tpu.memref_squeeze %dma_wait3A_172 : memref<1x8xi32, #tpu.memory_space<vmem>> -> memref<8xi32, #tpu.memory_space<vmem>>
      %dma_wait3A_174 = tpu.memref_slice %arg10[%mul3A_4] : memref<256xi32, #tpu.memory_space<hbm>> -> memref<8xi32, #tpu.memory_space<hbm>>
      tpu.wait_dma2 semaphore(%run_scoped3A_158 : memref<!tpu.dma_semaphore, #tpu.memory_space<semaphore_mem>>) src(%dma_wait3A_174 : memref<8xi32, #tpu.memory_space<hbm>>) dst(%dma_wait3A_173 : memref<8xi32, #tpu.memory_space<vmem>>)
      tpu.yield
    }) : () -> ()
    %dma_start3A = arith.constant 0 : i32
    %dma_start3A_10 = arith.constant 0 : i32
    %dma_start3A_11 = arith.constant 0 : i32
    %dma_start3A_12 = arith.constant 0 : i32
    %dma_start3A_13 = tpu.memref_slice %arg19[%dma_start3A_10, %dma_start3A_11, %dma_start3A_12] : memref<3x128x64xf32, #tpu.memory_space<vmem>> -> memref<1x128x64xf32, #tpu.memory_space<vmem>>
    %dma_start3A_14 = tpu.memref_squeeze %dma_start3A_13 : memref<1x128x64xf32, #tpu.memory_space<vmem>> -> memref<128x64xf32, #tpu.memory_space<vmem>>
    %dma_start3A_15 = arith.constant 0 : i32
    %dma_start3A_16 = tpu.memref_slice %arg17[%dma_start3A, %dma_start3A_15] : memref<3x128xi32, #tpu.memory_space<vmem>> -> memref<1x128xi32, #tpu.memory_space<vmem>>
    %dma_start3A_17 = tpu.memref_squeeze %dma_start3A_16 : memref<1x128xi32, #tpu.memory_space<vmem>> -> memref<128xi32, #tpu.memory_space<vmem>>
    %dma_start3A_18 = arith.constant 0 : i32
    %dma_start3A_19 = arith.constant 0 : i32
    %dma_start3A_20 = tpu.memref_slice %arg2[%dma_start3A_18, %dma_start3A_19] : memref<100001x64xf32, #tpu.memory_space<hbm>> -> memref<100001x64xf32, #tpu.memory_space<hbm>>
    tpu.enqueue_indirect_dma source(%dma_start3A_20 : memref<100001x64xf32, #tpu.memory_space<hbm>>) target(%dma_start3A_14 : memref<128x64xf32, #tpu.memory_space<vmem>>) offsets(%dma_start3A_17 : memref<128xi32, #tpu.memory_space<vmem>>) semaphore(%arg21 : memref<!tpu.dma_semaphore, #tpu.memory_space<semaphore_mem>>)
    %dma_start3A_21 = arith.constant 0 : i32
    %dma_start3A_22 = arith.constant 0 : i32
    %dma_start3A_23 = arith.constant 0 : i32
    %dma_start3A_24 = arith.constant 0 : i32
    %dma_start3A_25 = tpu.memref_slice %arg20[%dma_start3A_22, %dma_start3A_23, %dma_start3A_24] : memref<3x8x64xf32, #tpu.memory_space<vmem>> -> memref<1x8x64xf32, #tpu.memory_space<vmem>>
    %dma_start3A_26 = tpu.memref_squeeze %dma_start3A_25 : memref<1x8x64xf32, #tpu.memory_space<vmem>> -> memref<8x64xf32, #tpu.memory_space<vmem>>
    %dma_start3A_27 = arith.constant 0 : i32
    %dma_start3A_28 = tpu.memref_slice %arg18[%dma_start3A_21, %dma_start3A_27] : memref<3x8xi32, #tpu.memory_space<vmem>> -> memref<1x8xi32, #tpu.memory_space<vmem>>
    %dma_start3A_29 = tpu.memref_squeeze %dma_start3A_28 : memref<1x8xi32, #tpu.memory_space<vmem>> -> memref<8xi32, #tpu.memory_space<vmem>>
    %dma_start3A_30 = arith.constant 0 : i32
    %dma_start3A_31 = arith.constant 0 : i32
    %dma_start3A_32 = tpu.memref_slice %arg3[%dma_start3A_30, %dma_start3A_31] : memref<1001x64xf32, #tpu.memory_space<hbm>> -> memref<1001x64xf32, #tpu.memory_space<hbm>>
    tpu.enqueue_indirect_dma source(%dma_start3A_32 : memref<1001x64xf32, #tpu.memory_space<hbm>>) target(%dma_start3A_26 : memref<8x64xf32, #tpu.memory_space<vmem>>) offsets(%dma_start3A_29 : memref<8xi32, #tpu.memory_space<vmem>>) semaphore(%arg21 : memref<!tpu.dma_semaphore, #tpu.memory_space<semaphore_mem>>)
    %dma_start3A_33 = arith.constant 1 : i32
    %dma_start3A_34 = arith.constant 1 : i32
    %dma_start3A_35 = arith.constant 0 : i32
    %dma_start3A_36 = arith.constant 0 : i32
    %dma_start3A_37 = tpu.memref_slice %arg19[%dma_start3A_34, %dma_start3A_35, %dma_start3A_36] : memref<3x128x64xf32, #tpu.memory_space<vmem>> -> memref<1x128x64xf32, #tpu.memory_space<vmem>>
    %dma_start3A_38 = tpu.memref_squeeze %dma_start3A_37 : memref<1x128x64xf32, #tpu.memory_space<vmem>> -> memref<128x64xf32, #tpu.memory_space<vmem>>
    %dma_start3A_39 = arith.constant 0 : i32
    %dma_start3A_40 = tpu.memref_slice %arg17[%dma_start3A_33, %dma_start3A_39] : memref<3x128xi32, #tpu.memory_space<vmem>> -> memref<1x128xi32, #tpu.memory_space<vmem>>
    %dma_start3A_41 = tpu.memref_squeeze %dma_start3A_40 : memref<1x128xi32, #tpu.memory_space<vmem>> -> memref<128xi32, #tpu.memory_space<vmem>>
    %dma_start3A_42 = arith.constant 0 : i32
    %dma_start3A_43 = arith.constant 0 : i32
    %dma_start3A_44 = tpu.memref_slice %arg3[%dma_start3A_42, %dma_start3A_43] : memref<1001x64xf32, #tpu.memory_space<hbm>> -> memref<1001x64xf32, #tpu.memory_space<hbm>>
    tpu.enqueue_indirect_dma source(%dma_start3A_44 : memref<1001x64xf32, #tpu.memory_space<hbm>>) target(%dma_start3A_38 : memref<128x64xf32, #tpu.memory_space<vmem>>) offsets(%dma_start3A_41 : memref<128xi32, #tpu.memory_space<vmem>>) semaphore(%arg21 : memref<!tpu.dma_semaphore, #tpu.memory_space<semaphore_mem>>)
    %dma_start3A_45 = arith.constant 1 : i32
    %dma_start3A_46 = arith.constant 1 : i32
    %dma_start3A_47 = arith.constant 0 : i32
    %dma_start3A_48 = arith.constant 0 : i32
    %dma_start3A_49 = tpu.memref_slice %arg20[%dma_start3A_46, %dma_start3A_47, %dma_start3A_48] : memref<3x8x64xf32, #tpu.memory_space<vmem>> -> memref<1x8x64xf32, #tpu.memory_space<vmem>>
    %dma_start3A_50 = tpu.memref_squeeze %dma_start3A_49 : memref<1x8x64xf32, #tpu.memory_space<vmem>> -> memref<8x64xf32, #tpu.memory_space<vmem>>
    %dma_start3A_51 = arith.constant 0 : i32
    %dma_start3A_52 = tpu.memref_slice %arg18[%dma_start3A_45, %dma_start3A_51] : memref<3x8xi32, #tpu.memory_space<vmem>> -> memref<1x8xi32, #tpu.memory_space<vmem>>
    %dma_start3A_53 = tpu.memref_squeeze %dma_start3A_52 : memref<1x8xi32, #tpu.memory_space<vmem>> -> memref<8xi32, #tpu.memory_space<vmem>>
    %dma_start3A_54 = arith.constant 0 : i32
    %dma_start3A_55 = arith.constant 0 : i32
    %dma_start3A_56 = tpu.memref_slice %arg4[%dma_start3A_54, %dma_start3A_55] : memref<100001x64xf32, #tpu.memory_space<hbm>> -> memref<100001x64xf32, #tpu.memory_space<hbm>>
    tpu.enqueue_indirect_dma source(%dma_start3A_56 : memref<100001x64xf32, #tpu.memory_space<hbm>>) target(%dma_start3A_50 : memref<8x64xf32, #tpu.memory_space<vmem>>) offsets(%dma_start3A_53 : memref<8xi32, #tpu.memory_space<vmem>>) semaphore(%arg21 : memref<!tpu.dma_semaphore, #tpu.memory_space<semaphore_mem>>)
    %dma_start3A_57 = arith.constant 2 : i32
    %dma_start3A_58 = arith.constant 2 : i32
    %dma_start3A_59 = arith.constant 0 : i32
    %dma_start3A_60 = arith.constant 0 : i32
    %dma_start3A_61 = tpu.memref_slice %arg19[%dma_start3A_58, %dma_start3A_59, %dma_start3A_60] : memref<3x128x64xf32, #tpu.memory_space<vmem>> -> memref<1x128x64xf32, #tpu.memory_space<vmem>>
    %dma_start3A_62 = tpu.memref_squeeze %dma_start3A_61 : memref<1x128x64xf32, #tpu.memory_space<vmem>> -> memref<128x64xf32, #tpu.memory_space<vmem>>
    %dma_start3A_63 = arith.constant 0 : i32
    %dma_start3A_64 = tpu.memref_slice %arg17[%dma_start3A_57, %dma_start3A_63] : memref<3x128xi32, #tpu.memory_space<vmem>> -> memref<1x128xi32, #tpu.memory_space<vmem>>
    %dma_start3A_65 = tpu.memref_squeeze %dma_start3A_64 : memref<1x128xi32, #tpu.memory_space<vmem>> -> memref<128xi32, #tpu.memory_space<vmem>>
    %dma_start3A_66 = arith.constant 0 : i32
    %dma_start3A_67 = arith.constant 0 : i32
    %dma_start3A_68 = tpu.memref_slice %arg4[%dma_start3A_66, %dma_start3A_67] : memref<100001x64xf32, #tpu.memory_space<hbm>> -> memref<100001x64xf32, #tpu.memory_space<hbm>>
    tpu.enqueue_indirect_dma source(%dma_start3A_68 : memref<100001x64xf32, #tpu.memory_space<hbm>>) target(%dma_start3A_62 : memref<128x64xf32, #tpu.memory_space<vmem>>) offsets(%dma_start3A_65 : memref<128xi32, #tpu.memory_space<vmem>>) semaphore(%arg21 : memref<!tpu.dma_semaphore, #tpu.memory_space<semaphore_mem>>)
    %dma_start3A_69 = arith.constant 2 : i32
    %dma_start3A_70 = arith.constant 2 : i32
    %dma_start3A_71 = arith.constant 0 : i32
    %dma_start3A_72 = arith.constant 0 : i32
    %dma_start3A_73 = tpu.memref_slice %arg20[%dma_start3A_70, %dma_start3A_71, %dma_start3A_72] : memref<3x8x64xf32, #tpu.memory_space<vmem>> -> memref<1x8x64xf32, #tpu.memory_space<vmem>>
    %dma_start3A_74 = tpu.memref_squeeze %dma_start3A_73 : memref<1x8x64xf32, #tpu.memory_space<vmem>> -> memref<8x64xf32, #tpu.memory_space<vmem>>
    %dma_start3A_75 = arith.constant 0 : i32
    %dma_start3A_76 = tpu.memref_slice %arg18[%dma_start3A_69, %dma_start3A_75] : memref<3x8xi32, #tpu.memory_space<vmem>> -> memref<1x8xi32, #tpu.memory_space<vmem>>
    %dma_start3A_77 = tpu.memref_squeeze %dma_start3A_76 : memref<1x8xi32, #tpu.memory_space<vmem>> -> memref<8xi32, #tpu.memory_space<vmem>>
    %dma_start3A_78 = arith.constant 0 : i32
    %dma_start3A_79 = arith.constant 0 : i32
    %dma_start3A_80 = tpu.memref_slice %arg4[%dma_start3A_78, %dma_start3A_79] : memref<100001x64xf32, #tpu.memory_space<hbm>> -> memref<100001x64xf32, #tpu.memory_space<hbm>>
    tpu.enqueue_indirect_dma source(%dma_start3A_80 : memref<100001x64xf32, #tpu.memory_space<hbm>>) target(%dma_start3A_74 : memref<8x64xf32, #tpu.memory_space<vmem>>) offsets(%dma_start3A_77 : memref<8xi32, #tpu.memory_space<vmem>>) semaphore(%arg21 : memref<!tpu.dma_semaphore, #tpu.memory_space<semaphore_mem>>)
    %dma_wait3A = arith.constant 0 : i32
    %dma_wait3A_81 = arith.constant 0 : i32
    %dma_wait3A_82 = arith.constant 0 : i32
    %dma_wait3A_83 = arith.constant 0 : i32
    %dma_wait3A_84 = tpu.memref_slice %arg19[%dma_wait3A_81, %dma_wait3A_82, %dma_wait3A_83] : memref<3x128x64xf32, #tpu.memory_space<vmem>> -> memref<1x128x64xf32, #tpu.memory_space<vmem>>
    %dma_wait3A_85 = tpu.memref_squeeze %dma_wait3A_84 : memref<1x128x64xf32, #tpu.memory_space<vmem>> -> memref<128x64xf32, #tpu.memory_space<vmem>>
    %dma_wait3A_86 = arith.constant 0 : i32
    %dma_wait3A_87 = tpu.memref_slice %arg17[%dma_wait3A, %dma_wait3A_86] : memref<3x128xi32, #tpu.memory_space<vmem>> -> memref<1x128xi32, #tpu.memory_space<vmem>>
    %dma_wait3A_88 = tpu.memref_squeeze %dma_wait3A_87 : memref<1x128xi32, #tpu.memory_space<vmem>> -> memref<128xi32, #tpu.memory_space<vmem>>
    %dma_wait3A_89 = arith.constant 0 : i32
    %dma_wait3A_90 = arith.constant 0 : i32
    %dma_wait3A_91 = tpu.memref_slice %arg2[%dma_wait3A_89, %dma_wait3A_90] : memref<100001x64xf32, #tpu.memory_space<hbm>> -> memref<100001x64xf32, #tpu.memory_space<hbm>>
    tpu.wait_indirect_dma semaphore(%arg21 : memref<!tpu.dma_semaphore, #tpu.memory_space<semaphore_mem>>) src(%dma_wait3A_91 : memref<100001x64xf32, #tpu.memory_space<hbm>>) dst(%dma_wait3A_85 : memref<128x64xf32, #tpu.memory_space<vmem>>)
    %dma_wait3A_92 = arith.constant 0 : i32
    %dma_wait3A_93 = arith.constant 0 : i32
    %dma_wait3A_94 = arith.constant 0 : i32
    %dma_wait3A_95 = arith.constant 0 : i32
    %dma_wait3A_96 = tpu.memref_slice %arg20[%dma_wait3A_93, %dma_wait3A_94, %dma_wait3A_95] : memref<3x8x64xf32, #tpu.memory_space<vmem>> -> memref<1x8x64xf32, #tpu.memory_space<vmem>>
    %dma_wait3A_97 = tpu.memref_squeeze %dma_wait3A_96 : memref<1x8x64xf32, #tpu.memory_space<vmem>> -> memref<8x64xf32, #tpu.memory_space<vmem>>
    %dma_wait3A_98 = arith.constant 0 : i32
    %dma_wait3A_99 = tpu.memref_slice %arg18[%dma_wait3A_92, %dma_wait3A_98] : memref<3x8xi32, #tpu.memory_space<vmem>> -> memref<1x8xi32, #tpu.memory_space<vmem>>
    %dma_wait3A_100 = tpu.memref_squeeze %dma_wait3A_99 : memref<1x8xi32, #tpu.memory_space<vmem>> -> memref<8xi32, #tpu.memory_space<vmem>>
    %dma_wait3A_101 = arith.constant 0 : i32
    %dma_wait3A_102 = arith.constant 0 : i32
    %dma_wait3A_103 = tpu.memref_slice %arg3[%dma_wait3A_101, %dma_wait3A_102] : memref<1001x64xf32, #tpu.memory_space<hbm>> -> memref<1001x64xf32, #tpu.memory_space<hbm>>
    tpu.wait_indirect_dma semaphore(%arg21 : memref<!tpu.dma_semaphore, #tpu.memory_space<semaphore_mem>>) src(%dma_wait3A_103 : memref<1001x64xf32, #tpu.memory_space<hbm>>) dst(%dma_wait3A_97 : memref<8x64xf32, #tpu.memory_space<vmem>>)
    %dma_wait3A_104 = arith.constant 1 : i32
    %dma_wait3A_105 = arith.constant 1 : i32
    %dma_wait3A_106 = arith.constant 0 : i32
    %dma_wait3A_107 = arith.constant 0 : i32
    %dma_wait3A_108 = tpu.memref_slice %arg19[%dma_wait3A_105, %dma_wait3A_106, %dma_wait3A_107] : memref<3x128x64xf32, #tpu.memory_space<vmem>> -> memref<1x128x64xf32, #tpu.memory_space<vmem>>
    %dma_wait3A_109 = tpu.memref_squeeze %dma_wait3A_108 : memref<1x128x64xf32, #tpu.memory_space<vmem>> -> memref<128x64xf32, #tpu.memory_space<vmem>>
    %dma_wait3A_110 = arith.constant 0 : i32
    %dma_wait3A_111 = tpu.memref_slice %arg17[%dma_wait3A_104, %dma_wait3A_110] : memref<3x128xi32, #tpu.memory_space<vmem>> -> memref<1x128xi32, #tpu.memory_space<vmem>>
    %dma_wait3A_112 = tpu.memref_squeeze %dma_wait3A_111 : memref<1x128xi32, #tpu.memory_space<vmem>> -> memref<128xi32, #tpu.memory_space<vmem>>
    %dma_wait3A_113 = arith.constant 0 : i32
    %dma_wait3A_114 = arith.constant 0 : i32
    %dma_wait3A_115 = tpu.memref_slice %arg3[%dma_wait3A_113, %dma_wait3A_114] : memref<1001x64xf32, #tpu.memory_space<hbm>> -> memref<1001x64xf32, #tpu.memory_space<hbm>>
    tpu.wait_indirect_dma semaphore(%arg21 : memref<!tpu.dma_semaphore, #tpu.memory_space<semaphore_mem>>) src(%dma_wait3A_115 : memref<1001x64xf32, #tpu.memory_space<hbm>>) dst(%dma_wait3A_109 : memref<128x64xf32, #tpu.memory_space<vmem>>)
    %dma_wait3A_116 = arith.constant 1 : i32
    %dma_wait3A_117 = arith.constant 1 : i32
    %dma_wait3A_118 = arith.constant 0 : i32
    %dma_wait3A_119 = arith.constant 0 : i32
    %dma_wait3A_120 = tpu.memref_slice %arg20[%dma_wait3A_117, %dma_wait3A_118, %dma_wait3A_119] : memref<3x8x64xf32, #tpu.memory_space<vmem>> -> memref<1x8x64xf32, #tpu.memory_space<vmem>>
    %dma_wait3A_121 = tpu.memref_squeeze %dma_wait3A_120 : memref<1x8x64xf32, #tpu.memory_space<vmem>> -> memref<8x64xf32, #tpu.memory_space<vmem>>
    %dma_wait3A_122 = arith.constant 0 : i32
    %dma_wait3A_123 = tpu.memref_slice %arg18[%dma_wait3A_116, %dma_wait3A_122] : memref<3x8xi32, #tpu.memory_space<vmem>> -> memref<1x8xi32, #tpu.memory_space<vmem>>
    %dma_wait3A_124 = tpu.memref_squeeze %dma_wait3A_123 : memref<1x8xi32, #tpu.memory_space<vmem>> -> memref<8xi32, #tpu.memory_space<vmem>>
    %dma_wait3A_125 = arith.constant 0 : i32
    %dma_wait3A_126 = arith.constant 0 : i32
    %dma_wait3A_127 = tpu.memref_slice %arg4[%dma_wait3A_125, %dma_wait3A_126] : memref<100001x64xf32, #tpu.memory_space<hbm>> -> memref<100001x64xf32, #tpu.memory_space<hbm>>
    tpu.wait_indirect_dma semaphore(%arg21 : memref<!tpu.dma_semaphore, #tpu.memory_space<semaphore_mem>>) src(%dma_wait3A_127 : memref<100001x64xf32, #tpu.memory_space<hbm>>) dst(%dma_wait3A_121 : memref<8x64xf32, #tpu.memory_space<vmem>>)
    %dma_wait3A_128 = arith.constant 2 : i32
    %dma_wait3A_129 = arith.constant 2 : i32
    %dma_wait3A_130 = arith.constant 0 : i32
    %dma_wait3A_131 = arith.constant 0 : i32
    %dma_wait3A_132 = tpu.memref_slice %arg19[%dma_wait3A_129, %dma_wait3A_130, %dma_wait3A_131] : memref<3x128x64xf32, #tpu.memory_space<vmem>> -> memref<1x128x64xf32, #tpu.memory_space<vmem>>
    %dma_wait3A_133 = tpu.memref_squeeze %dma_wait3A_132 : memref<1x128x64xf32, #tpu.memory_space<vmem>> -> memref<128x64xf32, #tpu.memory_space<vmem>>
    %dma_wait3A_134 = arith.constant 0 : i32
    %dma_wait3A_135 = tpu.memref_slice %arg17[%dma_wait3A_128, %dma_wait3A_134] : memref<3x128xi32, #tpu.memory_space<vmem>> -> memref<1x128xi32, #tpu.memory_space<vmem>>
    %dma_wait3A_136 = tpu.memref_squeeze %dma_wait3A_135 : memref<1x128xi32, #tpu.memory_space<vmem>> -> memref<128xi32, #tpu.memory_space<vmem>>
    %dma_wait3A_137 = arith.constant 0 : i32
    %dma_wait3A_138 = arith.constant 0 : i32
    %dma_wait3A_139 = tpu.memref_slice %arg4[%dma_wait3A_137, %dma_wait3A_138] : memref<100001x64xf32, #tpu.memory_space<hbm>> -> memref<100001x64xf32, #tpu.memory_space<hbm>>
    tpu.wait_indirect_dma semaphore(%arg21 : memref<!tpu.dma_semaphore, #tpu.memory_space<semaphore_mem>>) src(%dma_wait3A_139 : memref<100001x64xf32, #tpu.memory_space<hbm>>) dst(%dma_wait3A_133 : memref<128x64xf32, #tpu.memory_space<vmem>>)
    %dma_wait3A_140 = arith.constant 2 : i32
    %dma_wait3A_141 = arith.constant 2 : i32
    %dma_wait3A_142 = arith.constant 0 : i32
    %dma_wait3A_143 = arith.constant 0 : i32
    %dma_wait3A_144 = tpu.memref_slice %arg20[%dma_wait3A_141, %dma_wait3A_142, %dma_wait3A_143] : memref<3x8x64xf32, #tpu.memory_space<vmem>> -> memref<1x8x64xf32, #tpu.memory_space<vmem>>
    %dma_wait3A_145 = tpu.memref_squeeze %dma_wait3A_144 : memref<1x8x64xf32, #tpu.memory_space<vmem>> -> memref<8x64xf32, #tpu.memory_space<vmem>>
    %dma_wait3A_146 = arith.constant 0 : i32
    %dma_wait3A_147 = tpu.memref_slice %arg18[%dma_wait3A_140, %dma_wait3A_146] : memref<3x8xi32, #tpu.memory_space<vmem>> -> memref<1x8xi32, #tpu.memory_space<vmem>>
    %dma_wait3A_148 = tpu.memref_squeeze %dma_wait3A_147 : memref<1x8xi32, #tpu.memory_space<vmem>> -> memref<8xi32, #tpu.memory_space<vmem>>
    %dma_wait3A_149 = arith.constant 0 : i32
    %dma_wait3A_150 = arith.constant 0 : i32
    %dma_wait3A_151 = tpu.memref_slice %arg4[%dma_wait3A_149, %dma_wait3A_150] : memref<100001x64xf32, #tpu.memory_space<hbm>> -> memref<100001x64xf32, #tpu.memory_space<hbm>>
    tpu.wait_indirect_dma semaphore(%arg21 : memref<!tpu.dma_semaphore, #tpu.memory_space<semaphore_mem>>) src(%dma_wait3A_151 : memref<100001x64xf32, #tpu.memory_space<hbm>>) dst(%dma_wait3A_145 : memref<8x64xf32, #tpu.memory_space<vmem>>)
    %run_scoped3A_152 = arith.constant 0 : i32
    "tpu.region"() ({
      %run_scoped3A_158 = tpu.sem_alloc : memref<!tpu.dma_semaphore, #tpu.memory_space<semaphore_mem>>
      %dma_start3A_159 = arith.constant 0 : i32
      %dma_start3A_160 = arith.constant 0 : i32
      %dma_start3A_161 = tpu.memref_slice %arg19[%run_scoped3A_152, %dma_start3A_159, %dma_start3A_160] : memref<3x128x64xf32, #tpu.memory_space<vmem>> -> memref<1x128x64xf32, #tpu.memory_space<vmem>>
      %dma_start3A_162 = tpu.memref_squeeze %dma_start3A_161 : memref<1x128x64xf32, #tpu.memory_space<vmem>> -> memref<128x64xf32, #tpu.memory_space<vmem>>
      %dma_start3A_163 = arith.constant 0 : i32
      %dma_start3A_164 = tpu.memref_slice %arg11[%mul3A_2, %dma_start3A_163] : memref<4096x64xf32, #tpu.memory_space<hbm>> -> memref<128x64xf32, #tpu.memory_space<hbm>>
      %dma_start3A_165 = arith.constant 0 : i32
      %dma_start3A_166 = tpu.memref_slice %arg11[%mul3A_2, %dma_start3A_165] : memref<4096x64xf32, #tpu.memory_space<hbm>> -> memref<128x64xf32, #tpu.memory_space<hbm>>
      %dma_start3A_167 = arith.constant 0 : i32
      %dma_start3A_168 = arith.constant 0 : i32
      %dma_start3A_169 = tpu.memref_slice %arg19[%run_scoped3A_152, %dma_start3A_167, %dma_start3A_168] : memref<3x128x64xf32, #tpu.memory_space<vmem>> -> memref<1x128x64xf32, #tpu.memory_space<vmem>>
      %dma_start3A_170 = tpu.memref_squeeze %dma_start3A_169 : memref<1x128x64xf32, #tpu.memory_space<vmem>> -> memref<128x64xf32, #tpu.memory_space<vmem>>
      tpu.enqueue_dma source(%dma_start3A_170 : memref<128x64xf32, #tpu.memory_space<vmem>>) target(%dma_start3A_166 : memref<128x64xf32, #tpu.memory_space<hbm>>) target_semaphore(%run_scoped3A_158 : memref<!tpu.dma_semaphore, #tpu.memory_space<semaphore_mem>>)
      %dma_wait3A_171 = arith.constant 0 : i32
      %dma_wait3A_172 = arith.constant 0 : i32
      %dma_wait3A_173 = tpu.memref_slice %arg19[%run_scoped3A_152, %dma_wait3A_171, %dma_wait3A_172] : memref<3x128x64xf32, #tpu.memory_space<vmem>> -> memref<1x128x64xf32, #tpu.memory_space<vmem>>
      %dma_wait3A_174 = tpu.memref_squeeze %dma_wait3A_173 : memref<1x128x64xf32, #tpu.memory_space<vmem>> -> memref<128x64xf32, #tpu.memory_space<vmem>>
      %dma_wait3A_175 = arith.constant 0 : i32
      %dma_wait3A_176 = tpu.memref_slice %arg11[%mul3A_2, %dma_wait3A_175] : memref<4096x64xf32, #tpu.memory_space<hbm>> -> memref<128x64xf32, #tpu.memory_space<hbm>>
      %dma_wait3A_177 = arith.constant 0 : i32
      %dma_wait3A_178 = tpu.memref_slice %arg11[%mul3A_2, %dma_wait3A_177] : memref<4096x64xf32, #tpu.memory_space<hbm>> -> memref<128x64xf32, #tpu.memory_space<hbm>>
      %dma_wait3A_179 = arith.constant 0 : i32
      %dma_wait3A_180 = arith.constant 0 : i32
      %dma_wait3A_181 = tpu.memref_slice %arg19[%run_scoped3A_152, %dma_wait3A_179, %dma_wait3A_180] : memref<3x128x64xf32, #tpu.memory_space<vmem>> -> memref<1x128x64xf32, #tpu.memory_space<vmem>>
      %dma_wait3A_182 = tpu.memref_squeeze %dma_wait3A_181 : memref<1x128x64xf32, #tpu.memory_space<vmem>> -> memref<128x64xf32, #tpu.memory_space<vmem>>
      tpu.wait_dma2 semaphore(%run_scoped3A_158 : memref<!tpu.dma_semaphore, #tpu.memory_space<semaphore_mem>>) src(%dma_wait3A_182 : memref<128x64xf32, #tpu.memory_space<vmem>>) dst(%dma_wait3A_178 : memref<128x64xf32, #tpu.memory_space<hbm>>)
      tpu.yield
    }) : () -> ()
    %run_scoped3A_153 = arith.constant 0 : i32
    "tpu.region"() ({
      %run_scoped3A_158 = tpu.sem_alloc : memref<!tpu.dma_semaphore, #tpu.memory_space<semaphore_mem>>
      %dma_start3A_159 = arith.constant 0 : i32
      %dma_start3A_160 = arith.constant 0 : i32
      %dma_start3A_161 = tpu.memref_slice %arg20[%run_scoped3A_153, %dma_start3A_159, %dma_start3A_160] : memref<3x8x64xf32, #tpu.memory_space<vmem>> -> memref<1x8x64xf32, #tpu.memory_space<vmem>>
      %dma_start3A_162 = tpu.memref_squeeze %dma_start3A_161 : memref<1x8x64xf32, #tpu.memory_space<vmem>> -> memref<8x64xf32, #tpu.memory_space<vmem>>
      %dma_start3A_163 = arith.constant 0 : i32
      %dma_start3A_164 = tpu.memref_slice %arg14[%mul3A_4, %dma_start3A_163] : memref<256x64xf32, #tpu.memory_space<hbm>> -> memref<8x64xf32, #tpu.memory_space<hbm>>
      %dma_start3A_165 = arith.constant 0 : i32
      %dma_start3A_166 = tpu.memref_slice %arg14[%mul3A_4, %dma_start3A_165] : memref<256x64xf32, #tpu.memory_space<hbm>> -> memref<8x64xf32, #tpu.memory_space<hbm>>
      %dma_start3A_167 = arith.constant 0 : i32
      %dma_start3A_168 = arith.constant 0 : i32
      %dma_start3A_169 = tpu.memref_slice %arg20[%run_scoped3A_153, %dma_start3A_167, %dma_start3A_168] : memref<3x8x64xf32, #tpu.memory_space<vmem>> -> memref<1x8x64xf32, #tpu.memory_space<vmem>>
      %dma_start3A_170 = tpu.memref_squeeze %dma_start3A_169 : memref<1x8x64xf32, #tpu.memory_space<vmem>> -> memref<8x64xf32, #tpu.memory_space<vmem>>
      tpu.enqueue_dma source(%dma_start3A_170 : memref<8x64xf32, #tpu.memory_space<vmem>>) target(%dma_start3A_166 : memref<8x64xf32, #tpu.memory_space<hbm>>) target_semaphore(%run_scoped3A_158 : memref<!tpu.dma_semaphore, #tpu.memory_space<semaphore_mem>>)
      %dma_wait3A_171 = arith.constant 0 : i32
      %dma_wait3A_172 = arith.constant 0 : i32
      %dma_wait3A_173 = tpu.memref_slice %arg20[%run_scoped3A_153, %dma_wait3A_171, %dma_wait3A_172] : memref<3x8x64xf32, #tpu.memory_space<vmem>> -> memref<1x8x64xf32, #tpu.memory_space<vmem>>
      %dma_wait3A_174 = tpu.memref_squeeze %dma_wait3A_173 : memref<1x8x64xf32, #tpu.memory_space<vmem>> -> memref<8x64xf32, #tpu.memory_space<vmem>>
      %dma_wait3A_175 = arith.constant 0 : i32
      %dma_wait3A_176 = tpu.memref_slice %arg14[%mul3A_4, %dma_wait3A_175] : memref<256x64xf32, #tpu.memory_space<hbm>> -> memref<8x64xf32, #tpu.memory_space<hbm>>
      %dma_wait3A_177 = arith.constant 0 : i32
      %dma_wait3A_178 = tpu.memref_slice %arg14[%mul3A_4, %dma_wait3A_177] : memref<256x64xf32, #tpu.memory_space<hbm>> -> memref<8x64xf32, #tpu.memory_space<hbm>>
      %dma_wait3A_179 = arith.constant 0 : i32
      %dma_wait3A_180 = arith.constant 0 : i32
      %dma_wait3A_181 = tpu.memref_slice %arg20[%run_scoped3A_153, %dma_wait3A_179, %dma_wait3A_180] : memref<3x8x64xf32, #tpu.memory_space<vmem>> -> memref<1x8x64xf32, #tpu.memory_space<vmem>>
      %dma_wait3A_182 = tpu.memref_squeeze %dma_wait3A_181 : memref<1x8x64xf32, #tpu.memory_space<vmem>> -> memref<8x64xf32, #tpu.memory_space<vmem>>
      tpu.wait_dma2 semaphore(%run_scoped3A_158 : memref<!tpu.dma_semaphore, #tpu.memory_space<semaphore_mem>>) src(%dma_wait3A_182 : memref<8x64xf32, #tpu.memory_space<vmem>>) dst(%dma_wait3A_178 : memref<8x64xf32, #tpu.memory_space<hbm>>)
      tpu.yield
    }) : () -> ()
    %run_scoped3A_154 = arith.constant 1 : i32
    "tpu.region"() ({
      %run_scoped3A_158 = tpu.sem_alloc : memref<!tpu.dma_semaphore, #tpu.memory_space<semaphore_mem>>
      %dma_start3A_159 = arith.constant 0 : i32
      %dma_start3A_160 = arith.constant 0 : i32
      %dma_start3A_161 = tpu.memref_slice %arg19[%run_scoped3A_154, %dma_start3A_159, %dma_start3A_160] : memref<3x128x64xf32, #tpu.memory_space<vmem>> -> memref<1x128x64xf32, #tpu.memory_space<vmem>>
      %dma_start3A_162 = tpu.memref_squeeze %dma_start3A_161 : memref<1x128x64xf32, #tpu.memory_space<vmem>> -> memref<128x64xf32, #tpu.memory_space<vmem>>
      %dma_start3A_163 = arith.constant 0 : i32
      %dma_start3A_164 = tpu.memref_slice %arg12[%mul3A_2, %dma_start3A_163] : memref<4096x64xf32, #tpu.memory_space<hbm>> -> memref<128x64xf32, #tpu.memory_space<hbm>>
      %dma_start3A_165 = arith.constant 0 : i32
      %dma_start3A_166 = tpu.memref_slice %arg12[%mul3A_2, %dma_start3A_165] : memref<4096x64xf32, #tpu.memory_space<hbm>> -> memref<128x64xf32, #tpu.memory_space<hbm>>
      %dma_start3A_167 = arith.constant 0 : i32
      %dma_start3A_168 = arith.constant 0 : i32
      %dma_start3A_169 = tpu.memref_slice %arg19[%run_scoped3A_154, %dma_start3A_167, %dma_start3A_168] : memref<3x128x64xf32, #tpu.memory_space<vmem>> -> memref<1x128x64xf32, #tpu.memory_space<vmem>>
      %dma_start3A_170 = tpu.memref_squeeze %dma_start3A_169 : memref<1x128x64xf32, #tpu.memory_space<vmem>> -> memref<128x64xf32, #tpu.memory_space<vmem>>
      tpu.enqueue_dma source(%dma_start3A_170 : memref<128x64xf32, #tpu.memory_space<vmem>>) target(%dma_start3A_166 : memref<128x64xf32, #tpu.memory_space<hbm>>) target_semaphore(%run_scoped3A_158 : memref<!tpu.dma_semaphore, #tpu.memory_space<semaphore_mem>>)
      %dma_wait3A_171 = arith.constant 0 : i32
      %dma_wait3A_172 = arith.constant 0 : i32
      %dma_wait3A_173 = tpu.memref_slice %arg19[%run_scoped3A_154, %dma_wait3A_171, %dma_wait3A_172] : memref<3x128x64xf32, #tpu.memory_space<vmem>> -> memref<1x128x64xf32, #tpu.memory_space<vmem>>
      %dma_wait3A_174 = tpu.memref_squeeze %dma_wait3A_173 : memref<1x128x64xf32, #tpu.memory_space<vmem>> -> memref<128x64xf32, #tpu.memory_space<vmem>>
      %dma_wait3A_175 = arith.constant 0 : i32
      %dma_wait3A_176 = tpu.memref_slice %arg12[%mul3A_2, %dma_wait3A_175] : memref<4096x64xf32, #tpu.memory_space<hbm>> -> memref<128x64xf32, #tpu.memory_space<hbm>>
      %dma_wait3A_177 = arith.constant 0 : i32
      %dma_wait3A_178 = tpu.memref_slice %arg12[%mul3A_2, %dma_wait3A_177] : memref<4096x64xf32, #tpu.memory_space<hbm>> -> memref<128x64xf32, #tpu.memory_space<hbm>>
      %dma_wait3A_179 = arith.constant 0 : i32
      %dma_wait3A_180 = arith.constant 0 : i32
      %dma_wait3A_181 = tpu.memref_slice %arg19[%run_scoped3A_154, %dma_wait3A_179, %dma_wait3A_180] : memref<3x128x64xf32, #tpu.memory_space<vmem>> -> memref<1x128x64xf32, #tpu.memory_space<vmem>>
      %dma_wait3A_182 = tpu.memref_squeeze %dma_wait3A_181 : memref<1x128x64xf32, #tpu.memory_space<vmem>> -> memref<128x64xf32, #tpu.memory_space<vmem>>
      tpu.wait_dma2 semaphore(%run_scoped3A_158 : memref<!tpu.dma_semaphore, #tpu.memory_space<semaphore_mem>>) src(%dma_wait3A_182 : memref<128x64xf32, #tpu.memory_space<vmem>>) dst(%dma_wait3A_178 : memref<128x64xf32, #tpu.memory_space<hbm>>)
      tpu.yield
    }) : () -> ()
    %run_scoped3A_155 = arith.constant 1 : i32
    "tpu.region"() ({
      %run_scoped3A_158 = tpu.sem_alloc : memref<!tpu.dma_semaphore, #tpu.memory_space<semaphore_mem>>
      %dma_start3A_159 = arith.constant 0 : i32
      %dma_start3A_160 = arith.constant 0 : i32
      %dma_start3A_161 = tpu.memref_slice %arg20[%run_scoped3A_155, %dma_start3A_159, %dma_start3A_160] : memref<3x8x64xf32, #tpu.memory_space<vmem>> -> memref<1x8x64xf32, #tpu.memory_space<vmem>>
      %dma_start3A_162 = tpu.memref_squeeze %dma_start3A_161 : memref<1x8x64xf32, #tpu.memory_space<vmem>> -> memref<8x64xf32, #tpu.memory_space<vmem>>
      %dma_start3A_163 = arith.constant 0 : i32
      %dma_start3A_164 = tpu.memref_slice %arg15[%mul3A_4, %dma_start3A_163] : memref<256x64xf32, #tpu.memory_space<hbm>> -> memref<8x64xf32, #tpu.memory_space<hbm>>
      %dma_start3A_165 = arith.constant 0 : i32
      %dma_start3A_166 = tpu.memref_slice %arg15[%mul3A_4, %dma_start3A_165] : memref<256x64xf32, #tpu.memory_space<hbm>> -> memref<8x64xf32, #tpu.memory_space<hbm>>
      %dma_start3A_167 = arith.constant 0 : i32
      %dma_start3A_168 = arith.constant 0 : i32
      %dma_start3A_169 = tpu.memref_slice %arg20[%run_scoped3A_155, %dma_start3A_167, %dma_start3A_168] : memref<3x8x64xf32, #tpu.memory_space<vmem>> -> memref<1x8x64xf32, #tpu.memory_space<vmem>>
      %dma_start3A_170 = tpu.memref_squeeze %dma_start3A_169 : memref<1x8x64xf32, #tpu.memory_space<vmem>> -> memref<8x64xf32, #tpu.memory_space<vmem>>
      tpu.enqueue_dma source(%dma_start3A_170 : memref<8x64xf32, #tpu.memory_space<vmem>>) target(%dma_start3A_166 : memref<8x64xf32, #tpu.memory_space<hbm>>) target_semaphore(%run_scoped3A_158 : memref<!tpu.dma_semaphore, #tpu.memory_space<semaphore_mem>>)
      %dma_wait3A_171 = arith.constant 0 : i32
      %dma_wait3A_172 = arith.constant 0 : i32
      %dma_wait3A_173 = tpu.memref_slice %arg20[%run_scoped3A_155, %dma_wait3A_171, %dma_wait3A_172] : memref<3x8x64xf32, #tpu.memory_space<vmem>> -> memref<1x8x64xf32, #tpu.memory_space<vmem>>
      %dma_wait3A_174 = tpu.memref_squeeze %dma_wait3A_173 : memref<1x8x64xf32, #tpu.memory_space<vmem>> -> memref<8x64xf32, #tpu.memory_space<vmem>>
      %dma_wait3A_175 = arith.constant 0 : i32
      %dma_wait3A_176 = tpu.memref_slice %arg15[%mul3A_4, %dma_wait3A_175] : memref<256x64xf32, #tpu.memory_space<hbm>> -> memref<8x64xf32, #tpu.memory_space<hbm>>
      %dma_wait3A_177 = arith.constant 0 : i32
      %dma_wait3A_178 = tpu.memref_slice %arg15[%mul3A_4, %dma_wait3A_177] : memref<256x64xf32, #tpu.memory_space<hbm>> -> memref<8x64xf32, #tpu.memory_space<hbm>>
      %dma_wait3A_179 = arith.constant 0 : i32
      %dma_wait3A_180 = arith.constant 0 : i32
      %dma_wait3A_181 = tpu.memref_slice %arg20[%run_scoped3A_155, %dma_wait3A_179, %dma_wait3A_180] : memref<3x8x64xf32, #tpu.memory_space<vmem>> -> memref<1x8x64xf32, #tpu.memory_space<vmem>>
      %dma_wait3A_182 = tpu.memref_squeeze %dma_wait3A_181 : memref<1x8x64xf32, #tpu.memory_space<vmem>> -> memref<8x64xf32, #tpu.memory_space<vmem>>
      tpu.wait_dma2 semaphore(%run_scoped3A_158 : memref<!tpu.dma_semaphore, #tpu.memory_space<semaphore_mem>>) src(%dma_wait3A_182 : memref<8x64xf32, #tpu.memory_space<vmem>>) dst(%dma_wait3A_178 : memref<8x64xf32, #tpu.memory_space<hbm>>)
      tpu.yield
    }) : () -> ()
    %run_scoped3A_156 = arith.constant 2 : i32
    "tpu.region"() ({
      %run_scoped3A_158 = tpu.sem_alloc : memref<!tpu.dma_semaphore, #tpu.memory_space<semaphore_mem>>
      %dma_start3A_159 = arith.constant 0 : i32
      %dma_start3A_160 = arith.constant 0 : i32
      %dma_start3A_161 = tpu.memref_slice %arg19[%run_scoped3A_156, %dma_start3A_159, %dma_start3A_160] : memref<3x128x64xf32, #tpu.memory_space<vmem>> -> memref<1x128x64xf32, #tpu.memory_space<vmem>>
      %dma_start3A_162 = tpu.memref_squeeze %dma_start3A_161 : memref<1x128x64xf32, #tpu.memory_space<vmem>> -> memref<128x64xf32, #tpu.memory_space<vmem>>
      %dma_start3A_163 = arith.constant 0 : i32
      %dma_start3A_164 = tpu.memref_slice %arg13[%mul3A_2, %dma_start3A_163] : memref<4096x64xf32, #tpu.memory_space<hbm>> -> memref<128x64xf32, #tpu.memory_space<hbm>>
      %dma_start3A_165 = arith.constant 0 : i32
      %dma_start3A_166 = tpu.memref_slice %arg13[%mul3A_2, %dma_start3A_165] : memref<4096x64xf32, #tpu.memory_space<hbm>> -> memref<128x64xf32, #tpu.memory_space<hbm>>
      %dma_start3A_167 = arith.constant 0 : i32
      %dma_start3A_168 = arith.constant 0 : i32
      %dma_start3A_169 = tpu.memref_slice %arg19[%run_scoped3A_156, %dma_start3A_167, %dma_start3A_168] : memref<3x128x64xf32, #tpu.memory_space<vmem>> -> memref<1x128x64xf32, #tpu.memory_space<vmem>>
      %dma_start3A_170 = tpu.memref_squeeze %dma_start3A_169 : memref<1x128x64xf32, #tpu.memory_space<vmem>> -> memref<128x64xf32, #tpu.memory_space<vmem>>
      tpu.enqueue_dma source(%dma_start3A_170 : memref<128x64xf32, #tpu.memory_space<vmem>>) target(%dma_start3A_166 : memref<128x64xf32, #tpu.memory_space<hbm>>) target_semaphore(%run_scoped3A_158 : memref<!tpu.dma_semaphore, #tpu.memory_space<semaphore_mem>>)
      %dma_wait3A_171 = arith.constant 0 : i32
      %dma_wait3A_172 = arith.constant 0 : i32
      %dma_wait3A_173 = tpu.memref_slice %arg19[%run_scoped3A_156, %dma_wait3A_171, %dma_wait3A_172] : memref<3x128x64xf32, #tpu.memory_space<vmem>> -> memref<1x128x64xf32, #tpu.memory_space<vmem>>
      %dma_wait3A_174 = tpu.memref_squeeze %dma_wait3A_173 : memref<1x128x64xf32, #tpu.memory_space<vmem>> -> memref<128x64xf32, #tpu.memory_space<vmem>>
      %dma_wait3A_175 = arith.constant 0 : i32
      %dma_wait3A_176 = tpu.memref_slice %arg13[%mul3A_2, %dma_wait3A_175] : memref<4096x64xf32, #tpu.memory_space<hbm>> -> memref<128x64xf32, #tpu.memory_space<hbm>>
      %dma_wait3A_177 = arith.constant 0 : i32
      %dma_wait3A_178 = tpu.memref_slice %arg13[%mul3A_2, %dma_wait3A_177] : memref<4096x64xf32, #tpu.memory_space<hbm>> -> memref<128x64xf32, #tpu.memory_space<hbm>>
      %dma_wait3A_179 = arith.constant 0 : i32
      %dma_wait3A_180 = arith.constant 0 : i32
      %dma_wait3A_181 = tpu.memref_slice %arg19[%run_scoped3A_156, %dma_wait3A_179, %dma_wait3A_180] : memref<3x128x64xf32, #tpu.memory_space<vmem>> -> memref<1x128x64xf32, #tpu.memory_space<vmem>>
      %dma_wait3A_182 = tpu.memref_squeeze %dma_wait3A_181 : memref<1x128x64xf32, #tpu.memory_space<vmem>> -> memref<128x64xf32, #tpu.memory_space<vmem>>
      tpu.wait_dma2 semaphore(%run_scoped3A_158 : memref<!tpu.dma_semaphore, #tpu.memory_space<semaphore_mem>>) src(%dma_wait3A_182 : memref<128x64xf32, #tpu.memory_space<vmem>>) dst(%dma_wait3A_178 : memref<128x64xf32, #tpu.memory_space<hbm>>)
      tpu.yield
    }) : () -> ()
    %run_scoped3A_157 = arith.constant 2 : i32
    "tpu.region"() ({
      %run_scoped3A_158 = tpu.sem_alloc : memref<!tpu.dma_semaphore, #tpu.memory_space<semaphore_mem>>
      %dma_start3A_159 = arith.constant 0 : i32
      %dma_start3A_160 = arith.constant 0 : i32
      %dma_start3A_161 = tpu.memref_slice %arg20[%run_scoped3A_157, %dma_start3A_159, %dma_start3A_160] : memref<3x8x64xf32, #tpu.memory_space<vmem>> -> memref<1x8x64xf32, #tpu.memory_space<vmem>>
      %dma_start3A_162 = tpu.memref_squeeze %dma_start3A_161 : memref<1x8x64xf32, #tpu.memory_space<vmem>> -> memref<8x64xf32, #tpu.memory_space<vmem>>
      %dma_start3A_163 = arith.constant 0 : i32
      %dma_start3A_164 = tpu.memref_slice %arg16[%mul3A_4, %dma_start3A_163] : memref<256x64xf32, #tpu.memory_space<hbm>> -> memref<8x64xf32, #tpu.memory_space<hbm>>
      %dma_start3A_165 = arith.constant 0 : i32
      %dma_start3A_166 = tpu.memref_slice %arg16[%mul3A_4, %dma_start3A_165] : memref<256x64xf32, #tpu.memory_space<hbm>> -> memref<8x64xf32, #tpu.memory_space<hbm>>
      %dma_start3A_167 = arith.constant 0 : i32
      %dma_start3A_168 = arith.constant 0 : i32
      %dma_start3A_169 = tpu.memref_slice %arg20[%run_scoped3A_157, %dma_start3A_167, %dma_start3A_168] : memref<3x8x64xf32, #tpu.memory_space<vmem>> -> memref<1x8x64xf32, #tpu.memory_space<vmem>>
      %dma_start3A_170 = tpu.memref_squeeze %dma_start3A_169 : memref<1x8x64xf32, #tpu.memory_space<vmem>> -> memref<8x64xf32, #tpu.memory_space<vmem>>
      tpu.enqueue_dma source(%dma_start3A_170 : memref<8x64xf32, #tpu.memory_space<vmem>>) target(%dma_start3A_166 : memref<8x64xf32, #tpu.memory_space<hbm>>) target_semaphore(%run_scoped3A_158 : memref<!tpu.dma_semaphore, #tpu.memory_space<semaphore_mem>>)
      %dma_wait3A_171 = arith.constant 0 : i32
      %dma_wait3A_172 = arith.constant 0 : i32
      %dma_wait3A_173 = tpu.memref_slice %arg20[%run_scoped3A_157, %dma_wait3A_171, %dma_wait3A_172] : memref<3x8x64xf32, #tpu.memory_space<vmem>> -> memref<1x8x64xf32, #tpu.memory_space<vmem>>
      %dma_wait3A_174 = tpu.memref_squeeze %dma_wait3A_173 : memref<1x8x64xf32, #tpu.memory_space<vmem>> -> memref<8x64xf32, #tpu.memory_space<vmem>>
      %dma_wait3A_175 = arith.constant 0 : i32
      %dma_wait3A_176 = tpu.memref_slice %arg16[%mul3A_4, %dma_wait3A_175] : memref<256x64xf32, #tpu.memory_space<hbm>> -> memref<8x64xf32, #tpu.memory_space<hbm>>
      %dma_wait3A_177 = arith.constant 0 : i32
      %dma_wait3A_178 = tpu.memref_slice %arg16[%mul3A_4, %dma_wait3A_177] : memref<256x64xf32, #tpu.memory_space<hbm>> -> memref<8x64xf32, #tpu.memory_space<hbm>>
      %dma_wait3A_179 = arith.constant 0 : i32
      %dma_wait3A_180 = arith.constant 0 : i32
      %dma_wait3A_181 = tpu.memref_slice %arg20[%run_scoped3A_157, %dma_wait3A_179, %dma_wait3A_180] : memref<3x8x64xf32, #tpu.memory_space<vmem>> -> memref<1x8x64xf32, #tpu.memory_space<vmem>>
      %dma_wait3A_182 = tpu.memref_squeeze %dma_wait3A_181 : memref<1x8x64xf32, #tpu.memory_space<vmem>> -> memref<8x64xf32, #tpu.memory_space<vmem>>
      tpu.wait_dma2 semaphore(%run_scoped3A_158 : memref<!tpu.dma_semaphore, #tpu.memory_space<semaphore_mem>>) src(%dma_wait3A_182 : memref<8x64xf32, #tpu.memory_space<vmem>>) dst(%dma_wait3A_178 : memref<8x64xf32, #tpu.memory_space<hbm>>)
      tpu.yield
    }) : () -> ()
    return
  }
}

module attributes {stable_mosaic.version = 14 : i64} {
  func.func @_sample_kernel(%arg0: memref<8x128xf32, #tpu.memory_space<vmem>>, %arg1: memref<128x8xf32, #tpu.memory_space<vmem>>, %arg2: memref<784x128xf32, #tpu.memory_space<vmem>>, %arg3: memref<128x784xf32, #tpu.memory_space<vmem>>, %arg4: memref<8x128xi32, #tpu.memory_space<vmem>>) attributes {dimension_semantics = [], scalar_prefetch = 0 : i64, scratch_operands = 0 : i64, tpu.core_type = #tpu.core_type<tc>} {
    %iota3A = tpu.iota {dimensions = array<i32: 1>} : vector<1x128xi32>
    %jit3A = arith.constant 100 : i32
    %eq3A = arith.constant 0 : i32
    %eq3A_0 = arith.cmpi eq, %jit3A, %eq3A : i32
    %jit3A_1 = arith.constant 1 : i32
    %select_n3A = arith.select %eq3A_0, %jit3A_1, %jit3A : i32
    %rem3A = vector.broadcast %select_n3A : i32 to vector<1x128xi32>
    %rem3A_2 = arith.remsi %iota3A, %rem3A : vector<1x128xi32>
    %ne3A = arith.constant 0 : i32
    %ne3A_3 = vector.broadcast %ne3A : i32 to vector<1x128xi32>
    %ne3A_4 = arith.cmpi ne, %rem3A_2, %ne3A_3 : vector<1x128xi32>
    %lt3A = arith.constant 0 : i32
    %lt3A_5 = vector.broadcast %lt3A : i32 to vector<1x128xi32>
    %lt3A_6 = arith.cmpi slt, %rem3A_2, %lt3A_5 : vector<1x128xi32>
    %lt3A_7 = arith.constant 0 : i32
    %lt3A_8 = arith.cmpi slt, %select_n3A, %lt3A_7 : i32
    %ne3A_9 = vector.broadcast %lt3A_8 : i1 to vector<1x128xi1>
    %ne3A_10 = vector.broadcast %ne3A_9 : vector<1x128xi1> to vector<1x128xi1>
    %ne3A_11 = arith.xori %lt3A_6, %ne3A_10 : vector<1x128xi1>
    %and3A = arith.andi %ne3A_11, %ne3A_4 : vector<1x128xi1>
    %add3A = vector.broadcast %select_n3A : i32 to vector<1x128xi32>
    %add3A_12 = arith.addi %rem3A_2, %add3A : vector<1x128xi32>
    %select_n3A_13 = arith.select %and3A, %add3A_12, %rem3A_2 : vector<1x128xi1>, vector<1x128xi32>
    %add3A_14 = arith.constant 0 : i32
    %add3A_15 = vector.broadcast %add3A_14 : i32 to vector<1x128xi32>
    %add3A_16 = arith.addi %iota3A, %add3A_15 : vector<1x128xi32>
    %shift_right_logical3A = arith.constant 16 : i32
    %shift_right_logical3A_17 = vector.broadcast %shift_right_logical3A : i32 to vector<1x128xi32>
    %shift_right_logical3A_18 = arith.shrui %add3A_16, %shift_right_logical3A_17 : vector<1x128xi32>
    %xor3A = arith.xori %add3A_16, %shift_right_logical3A_18 : vector<1x128xi32>
    %mul3A = arith.constant -2048144789 : i32
    %mul3A_19 = vector.broadcast %mul3A : i32 to vector<1x128xi32>
    %mul3A_20 = arith.muli %xor3A, %mul3A_19 : vector<1x128xi32>
    %shift_right_logical3A_21 = arith.constant 13 : i32
    %shift_right_logical3A_22 = vector.broadcast %shift_right_logical3A_21 : i32 to vector<1x128xi32>
    %shift_right_logical3A_23 = arith.shrui %mul3A_20, %shift_right_logical3A_22 : vector<1x128xi32>
    %xor3A_24 = arith.xori %mul3A_20, %shift_right_logical3A_23 : vector<1x128xi32>
    %mul3A_25 = arith.constant -1028477387 : i32
    %mul3A_26 = vector.broadcast %mul3A_25 : i32 to vector<1x128xi32>
    %mul3A_27 = arith.muli %xor3A_24, %mul3A_26 : vector<1x128xi32>
    %shift_right_logical3A_28 = arith.constant 16 : i32
    %shift_right_logical3A_29 = vector.broadcast %shift_right_logical3A_28 : i32 to vector<1x128xi32>
    %shift_right_logical3A_30 = arith.shrui %mul3A_27, %shift_right_logical3A_29 : vector<1x128xi32>
    %xor3A_31 = arith.xori %mul3A_27, %shift_right_logical3A_30 : vector<1x128xi32>
    %shift_right_logical3A_32 = arith.constant 8 : i32
    %shift_right_logical3A_33 = vector.broadcast %shift_right_logical3A_32 : i32 to vector<1x128xi32>
    %shift_right_logical3A_34 = arith.shrui %xor3A_31, %shift_right_logical3A_33 : vector<1x128xi32>
    %convert_element_type3A = arith.uitofp %shift_right_logical3A_34 : vector<1x128xi32> to vector<1x128xf32>
    %mul3A_35 = arith.constant 5.96046448E-8 : f32
    %mul3A_36 = vector.broadcast %mul3A_35 : f32 to vector<1x128xf32>
    %mul3A_37 = arith.mulf %convert_element_type3A, %mul3A_36 : vector<1x128xf32>
    %convert_element_type3A_38 = arith.sitofp %select_n3A_13 : vector<1x128xi32> to vector<1x128xf32>
    %add3A_39 = arith.addf %convert_element_type3A_38, %mul3A_37 : vector<1x128xf32>
    %mul3A_40 = arith.constant 0.00999999977 : f32
    %mul3A_41 = vector.broadcast %mul3A_40 : f32 to vector<1x128xf32>
    %mul3A_42 = arith.mulf %add3A_39, %mul3A_41 : vector<1x128xf32>
    %get3A = arith.constant 0 : index
    %get3A_43 = arith.constant 0 : index
    %get3A_44 = vector.load %arg0[%get3A, %get3A_43] : memref<8x128xf32, #tpu.memory_space<vmem>>, vector<8x128xf32>
    %get3A_45 = arith.constant 0 : index
    %get3A_46 = arith.constant 0 : index
    %get3A_47 = vector.load %arg1[%get3A_45, %get3A_46] : memref<128x8xf32, #tpu.memory_space<vmem>>, vector<128x8xf32>
    %broadcast_in_dim3A = arith.constant 1.000000e+00 : f32
    %broadcast_in_dim3A_48 = vector.broadcast %broadcast_in_dim3A : f32 to vector<128x1xf32>
    %dot_general3A = arith.constant dense<0.000000e+00> : vector<8x1xf32>
    %dot_general3A_49 = tpu.matmul %get3A_44, %broadcast_in_dim3A_48, %dot_general3A {dimension_numbers = #tpu.dot_dimension_numbers<[1], [0], [0], [1], [0, 0, 1, 1], [], []>, transpose_lhs_hint = false} : vector<8x128xf32>, vector<128x1xf32>, vector<8x1xf32> -> vector<8x1xf32>
    %iota3A_50 = tpu.iota {dimensions = array<i32: 0>} : vector<8x8xi32>
    %iota3A_51 = tpu.iota {dimensions = array<i32: 1>} : vector<8x8xi32>
    %le3A = arith.cmpi sle, %iota3A_51, %iota3A_50 : vector<8x8xi32>
    %convert_element_type3A_52 = arith.extui %le3A : vector<8x8xi1> to vector<8x8xi32>
    %convert_element_type3A_53 = arith.sitofp %convert_element_type3A_52 : vector<8x8xi32> to vector<8x8xf32>
    %dot_general3A_54 = arith.constant dense<0.000000e+00> : vector<8x1xf32>
    %dot_general3A_55 = tpu.matmul %convert_element_type3A_53, %dot_general3A_49, %dot_general3A_54 {dimension_numbers = #tpu.dot_dimension_numbers<[1], [0], [0], [1], [0, 0, 1, 1], [], []>, transpose_lhs_hint = false} : vector<8x8xf32>, vector<8x1xf32>, vector<8x1xf32> -> vector<8x1xf32>
    %iota3A_56 = tpu.iota {dimensions = array<i32: 0>} : vector<128x128xi32>
    %iota3A_57 = tpu.iota {dimensions = array<i32: 1>} : vector<128x128xi32>
    %le3A_58 = arith.cmpi sle, %iota3A_57, %iota3A_56 : vector<128x128xi32>
    %convert_element_type3A_59 = arith.extui %le3A_58 : vector<128x128xi1> to vector<128x128xi32>
    %convert_element_type3A_60 = arith.sitofp %convert_element_type3A_59 : vector<128x128xi32> to vector<128x128xf32>
    %dot_general3A_61 = arith.constant dense<0.000000e+00> : vector<128x8xf32>
    %dot_general3A_62 = tpu.matmul %convert_element_type3A_60, %get3A_47, %dot_general3A_61 {dimension_numbers = #tpu.dot_dimension_numbers<[1], [0], [0], [1], [0, 0, 1, 1], [], []>, transpose_lhs_hint = false} : vector<128x128xf32>, vector<128x8xf32>, vector<128x8xf32> -> vector<128x8xf32>
    %le3A_63 = vector.broadcast %dot_general3A_55 : vector<8x1xf32> to vector<8x128xf32>
    %le3A_64 = vector.broadcast %mul3A_42 : vector<1x128xf32> to vector<8x128xf32>
    %le3A_65 = arith.cmpf ole, %le3A_63, %le3A_64 : vector<8x128xf32>
    %convert_element_type3A_66 = arith.extui %le3A_65 : vector<8x128xi1> to vector<8x128xi32>
    %convert_element_type3A_67 = arith.sitofp %convert_element_type3A_66 : vector<8x128xi32> to vector<8x128xf32>
    %convert_element_type3A_68 = arith.fptosi %convert_element_type3A_67 : vector<8x128xf32> to vector<8x128xi32>
    %reduce_sum3A = arith.constant dense<0> : vector<128xi32>
    %reduce_sum3A_69 = vector.multi_reduction <add>, %convert_element_type3A_68, %reduce_sum3A [0] : vector<8x128xi32> to vector<128xi32>
    %broadcast_in_dim3A_70 = vector.shape_cast %reduce_sum3A_69 : vector<128xi32> to vector<1x128xi32>
    %mul3A_71 = vector.broadcast %dot_general3A_55 : vector<8x1xf32> to vector<8x128xf32>
    %mul3A_72 = arith.mulf %convert_element_type3A_67, %mul3A_71 : vector<8x128xf32>
    %reduce_max3A = arith.constant dense<0xFF800000> : vector<128xf32>
    %reduce_max3A_73 = vector.multi_reduction <maximumf>, %mul3A_72, %reduce_max3A [0] : vector<8x128xf32> to vector<128xf32>
    %broadcast_in_dim3A_74 = vector.shape_cast %reduce_max3A_73 : vector<128xf32> to vector<1x128xf32>
    %sub3A = arith.subf %mul3A_42, %broadcast_in_dim3A_74 : vector<1x128xf32>
    %iota3A_75 = tpu.iota {dimensions = array<i32: 0>} : vector<8x1xi32>
    %eq3A_76 = vector.broadcast %iota3A_75 : vector<8x1xi32> to vector<8x128xi32>
    %eq3A_77 = vector.broadcast %broadcast_in_dim3A_70 : vector<1x128xi32> to vector<8x128xi32>
    %eq3A_78 = arith.cmpi eq, %eq3A_76, %eq3A_77 : vector<8x128xi32>
    %convert_element_type3A_79 = arith.extui %eq3A_78 : vector<8x128xi1> to vector<8x128xi32>
    %convert_element_type3A_80 = arith.sitofp %convert_element_type3A_79 : vector<8x128xi32> to vector<8x128xf32>
    %dot_general3A_81 = arith.constant dense<0.000000e+00> : vector<128x128xf32>
    %dot_general3A_82 = tpu.matmul %dot_general3A_62, %convert_element_type3A_80, %dot_general3A_81 {dimension_numbers = #tpu.dot_dimension_numbers<[1], [0], [0], [1], [0, 0, 1, 1], [], []>, transpose_lhs_hint = false} : vector<128x8xf32>, vector<8x128xf32>, vector<128x128xf32> -> vector<128x128xf32>
    %le3A_83 = vector.broadcast %sub3A : vector<1x128xf32> to vector<128x128xf32>
    %le3A_84 = arith.cmpf ole, %dot_general3A_82, %le3A_83 : vector<128x128xf32>
    %convert_element_type3A_85 = arith.extui %le3A_84 : vector<128x128xi1> to vector<128x128xi32>
    %reduce_sum3A_86 = arith.constant dense<0> : vector<128xi32>
    %reduce_sum3A_87 = vector.multi_reduction <add>, %convert_element_type3A_85, %reduce_sum3A_86 [0] : vector<128x128xi32> to vector<128xi32>
    %broadcast_in_dim3A_88 = vector.shape_cast %reduce_sum3A_87 : vector<128xi32> to vector<1x128xi32>
    %mul3A_89 = arith.constant 128 : i32
    %mul3A_90 = vector.broadcast %mul3A_89 : i32 to vector<1x128xi32>
    %mul3A_91 = arith.muli %broadcast_in_dim3A_70, %mul3A_90 : vector<1x128xi32>
    %add3A_92 = arith.addi %mul3A_91, %broadcast_in_dim3A_88 : vector<1x128xi32>
    %jit3A_93 = arith.constant 0 : i32
    %jit3A_94 = arith.constant 999 : i32
    %max3A = vector.broadcast %jit3A_93 : i32 to vector<1x128xi32>
    %max3A_95 = arith.maxsi %max3A, %add3A_92 : vector<1x128xi32>
    %min3A = vector.broadcast %jit3A_94 : i32 to vector<1x128xi32>
    %min3A_96 = arith.minsi %min3A, %max3A_95 : vector<1x128xi32>
    %iota3A_97 = tpu.iota {dimensions = array<i32: 1>} : vector<1x128xi32>
    %jit3A_98 = arith.constant 100 : i32
    %eq3A_99 = arith.constant 0 : i32
    %eq3A_100 = arith.cmpi eq, %jit3A_98, %eq3A_99 : i32
    %jit3A_101 = arith.constant 1 : i32
    %select_n3A_102 = arith.select %eq3A_100, %jit3A_101, %jit3A_98 : i32
    %rem3A_103 = vector.broadcast %select_n3A_102 : i32 to vector<1x128xi32>
    %rem3A_104 = arith.remsi %iota3A_97, %rem3A_103 : vector<1x128xi32>
    %ne3A_105 = arith.constant 0 : i32
    %ne3A_106 = vector.broadcast %ne3A_105 : i32 to vector<1x128xi32>
    %ne3A_107 = arith.cmpi ne, %rem3A_104, %ne3A_106 : vector<1x128xi32>
    %lt3A_108 = arith.constant 0 : i32
    %lt3A_109 = vector.broadcast %lt3A_108 : i32 to vector<1x128xi32>
    %lt3A_110 = arith.cmpi slt, %rem3A_104, %lt3A_109 : vector<1x128xi32>
    %lt3A_111 = arith.constant 0 : i32
    %lt3A_112 = arith.cmpi slt, %select_n3A_102, %lt3A_111 : i32
    %ne3A_113 = vector.broadcast %lt3A_112 : i1 to vector<1x128xi1>
    %ne3A_114 = vector.broadcast %ne3A_113 : vector<1x128xi1> to vector<1x128xi1>
    %ne3A_115 = arith.xori %lt3A_110, %ne3A_114 : vector<1x128xi1>
    %and3A_116 = arith.andi %ne3A_115, %ne3A_107 : vector<1x128xi1>
    %add3A_117 = vector.broadcast %select_n3A_102 : i32 to vector<1x128xi32>
    %add3A_118 = arith.addi %rem3A_104, %add3A_117 : vector<1x128xi32>
    %select_n3A_119 = arith.select %and3A_116, %add3A_118, %rem3A_104 : vector<1x128xi1>, vector<1x128xi32>
    %add3A_120 = arith.constant 65536 : i32
    %add3A_121 = vector.broadcast %add3A_120 : i32 to vector<1x128xi32>
    %add3A_122 = arith.addi %iota3A_97, %add3A_121 : vector<1x128xi32>
    %shift_right_logical3A_123 = arith.constant 16 : i32
    %shift_right_logical3A_124 = vector.broadcast %shift_right_logical3A_123 : i32 to vector<1x128xi32>
    %shift_right_logical3A_125 = arith.shrui %add3A_122, %shift_right_logical3A_124 : vector<1x128xi32>
    %xor3A_126 = arith.xori %add3A_122, %shift_right_logical3A_125 : vector<1x128xi32>
    %mul3A_127 = arith.constant -2048144789 : i32
    %mul3A_128 = vector.broadcast %mul3A_127 : i32 to vector<1x128xi32>
    %mul3A_129 = arith.muli %xor3A_126, %mul3A_128 : vector<1x128xi32>
    %shift_right_logical3A_130 = arith.constant 13 : i32
    %shift_right_logical3A_131 = vector.broadcast %shift_right_logical3A_130 : i32 to vector<1x128xi32>
    %shift_right_logical3A_132 = arith.shrui %mul3A_129, %shift_right_logical3A_131 : vector<1x128xi32>
    %xor3A_133 = arith.xori %mul3A_129, %shift_right_logical3A_132 : vector<1x128xi32>
    %mul3A_134 = arith.constant -1028477387 : i32
    %mul3A_135 = vector.broadcast %mul3A_134 : i32 to vector<1x128xi32>
    %mul3A_136 = arith.muli %xor3A_133, %mul3A_135 : vector<1x128xi32>
    %shift_right_logical3A_137 = arith.constant 16 : i32
    %shift_right_logical3A_138 = vector.broadcast %shift_right_logical3A_137 : i32 to vector<1x128xi32>
    %shift_right_logical3A_139 = arith.shrui %mul3A_136, %shift_right_logical3A_138 : vector<1x128xi32>
    %xor3A_140 = arith.xori %mul3A_136, %shift_right_logical3A_139 : vector<1x128xi32>
    %shift_right_logical3A_141 = arith.constant 8 : i32
    %shift_right_logical3A_142 = vector.broadcast %shift_right_logical3A_141 : i32 to vector<1x128xi32>
    %shift_right_logical3A_143 = arith.shrui %xor3A_140, %shift_right_logical3A_142 : vector<1x128xi32>
    %convert_element_type3A_144 = arith.uitofp %shift_right_logical3A_143 : vector<1x128xi32> to vector<1x128xf32>
    %mul3A_145 = arith.constant 5.96046448E-8 : f32
    %mul3A_146 = vector.broadcast %mul3A_145 : f32 to vector<1x128xf32>
    %mul3A_147 = arith.mulf %convert_element_type3A_144, %mul3A_146 : vector<1x128xf32>
    %convert_element_type3A_148 = arith.sitofp %select_n3A_119 : vector<1x128xi32> to vector<1x128xf32>
    %add3A_149 = arith.addf %convert_element_type3A_148, %mul3A_147 : vector<1x128xf32>
    %mul3A_150 = arith.constant 0.00999999977 : f32
    %mul3A_151 = vector.broadcast %mul3A_150 : f32 to vector<1x128xf32>
    %mul3A_152 = arith.mulf %add3A_149, %mul3A_151 : vector<1x128xf32>
    %iota3A_153 = tpu.iota {dimensions = array<i32: 1>} : vector<1x128xi32>
    %jit3A_154 = arith.constant 100 : i32
    %eq3A_155 = arith.constant 0 : i32
    %eq3A_156 = arith.cmpi eq, %jit3A_154, %eq3A_155 : i32
    %jit3A_157 = arith.constant 1 : i32
    %select_n3A_158 = arith.select %eq3A_156, %jit3A_157, %jit3A_154 : i32
    %rem3A_159 = vector.broadcast %select_n3A_158 : i32 to vector<1x128xi32>
    %rem3A_160 = arith.remsi %iota3A_153, %rem3A_159 : vector<1x128xi32>
    %ne3A_161 = arith.constant 0 : i32
    %ne3A_162 = vector.broadcast %ne3A_161 : i32 to vector<1x128xi32>
    %ne3A_163 = arith.cmpi ne, %rem3A_160, %ne3A_162 : vector<1x128xi32>
    %lt3A_164 = arith.constant 0 : i32
    %lt3A_165 = vector.broadcast %lt3A_164 : i32 to vector<1x128xi32>
    %lt3A_166 = arith.cmpi slt, %rem3A_160, %lt3A_165 : vector<1x128xi32>
    %lt3A_167 = arith.constant 0 : i32
    %lt3A_168 = arith.cmpi slt, %select_n3A_158, %lt3A_167 : i32
    %ne3A_169 = vector.broadcast %lt3A_168 : i1 to vector<1x128xi1>
    %ne3A_170 = vector.broadcast %ne3A_169 : vector<1x128xi1> to vector<1x128xi1>
    %ne3A_171 = arith.xori %lt3A_166, %ne3A_170 : vector<1x128xi1>
    %and3A_172 = arith.andi %ne3A_171, %ne3A_163 : vector<1x128xi1>
    %add3A_173 = vector.broadcast %select_n3A_158 : i32 to vector<1x128xi32>
    %add3A_174 = arith.addi %rem3A_160, %add3A_173 : vector<1x128xi32>
    %select_n3A_175 = arith.select %and3A_172, %add3A_174, %rem3A_160 : vector<1x128xi1>, vector<1x128xi32>
    %add3A_176 = arith.constant 131072 : i32
    %add3A_177 = vector.broadcast %add3A_176 : i32 to vector<1x128xi32>
    %add3A_178 = arith.addi %iota3A_153, %add3A_177 : vector<1x128xi32>
    %shift_right_logical3A_179 = arith.constant 16 : i32
    %shift_right_logical3A_180 = vector.broadcast %shift_right_logical3A_179 : i32 to vector<1x128xi32>
    %shift_right_logical3A_181 = arith.shrui %add3A_178, %shift_right_logical3A_180 : vector<1x128xi32>
    %xor3A_182 = arith.xori %add3A_178, %shift_right_logical3A_181 : vector<1x128xi32>
    %mul3A_183 = arith.constant -2048144789 : i32
    %mul3A_184 = vector.broadcast %mul3A_183 : i32 to vector<1x128xi32>
    %mul3A_185 = arith.muli %xor3A_182, %mul3A_184 : vector<1x128xi32>
    %shift_right_logical3A_186 = arith.constant 13 : i32
    %shift_right_logical3A_187 = vector.broadcast %shift_right_logical3A_186 : i32 to vector<1x128xi32>
    %shift_right_logical3A_188 = arith.shrui %mul3A_185, %shift_right_logical3A_187 : vector<1x128xi32>
    %xor3A_189 = arith.xori %mul3A_185, %shift_right_logical3A_188 : vector<1x128xi32>
    %mul3A_190 = arith.constant -1028477387 : i32
    %mul3A_191 = vector.broadcast %mul3A_190 : i32 to vector<1x128xi32>
    %mul3A_192 = arith.muli %xor3A_189, %mul3A_191 : vector<1x128xi32>
    %shift_right_logical3A_193 = arith.constant 16 : i32
    %shift_right_logical3A_194 = vector.broadcast %shift_right_logical3A_193 : i32 to vector<1x128xi32>
    %shift_right_logical3A_195 = arith.shrui %mul3A_192, %shift_right_logical3A_194 : vector<1x128xi32>
    %xor3A_196 = arith.xori %mul3A_192, %shift_right_logical3A_195 : vector<1x128xi32>
    %shift_right_logical3A_197 = arith.constant 8 : i32
    %shift_right_logical3A_198 = vector.broadcast %shift_right_logical3A_197 : i32 to vector<1x128xi32>
    %shift_right_logical3A_199 = arith.shrui %xor3A_196, %shift_right_logical3A_198 : vector<1x128xi32>
    %convert_element_type3A_200 = arith.uitofp %shift_right_logical3A_199 : vector<1x128xi32> to vector<1x128xf32>
    %mul3A_201 = arith.constant 5.96046448E-8 : f32
    %mul3A_202 = vector.broadcast %mul3A_201 : f32 to vector<1x128xf32>
    %mul3A_203 = arith.mulf %convert_element_type3A_200, %mul3A_202 : vector<1x128xf32>
    %convert_element_type3A_204 = arith.sitofp %select_n3A_175 : vector<1x128xi32> to vector<1x128xf32>
    %add3A_205 = arith.addf %convert_element_type3A_204, %mul3A_203 : vector<1x128xf32>
    %mul3A_206 = arith.constant 0.00999999977 : f32
    %mul3A_207 = vector.broadcast %mul3A_206 : f32 to vector<1x128xf32>
    %mul3A_208 = arith.mulf %add3A_205, %mul3A_207 : vector<1x128xf32>
    %concatenate3A = tpu.concatenate %mul3A_152, %mul3A_208 in 1 : vector<1x128xf32>, vector<1x128xf32> -> vector<1x256xf32>
    %get3A_209 = arith.constant 0 : index
    %get3A_210 = arith.constant 0 : index
    %get3A_211 = vector.load %arg2[%get3A_209, %get3A_210] : memref<784x128xf32, #tpu.memory_space<vmem>>, vector<784x128xf32>
    %get3A_212 = arith.constant 0 : index
    %get3A_213 = arith.constant 0 : index
    %get3A_214 = vector.load %arg3[%get3A_212, %get3A_213] : memref<128x784xf32, #tpu.memory_space<vmem>>, vector<128x784xf32>
    %broadcast_in_dim3A_215 = arith.constant 1.000000e+00 : f32
    %broadcast_in_dim3A_216 = vector.broadcast %broadcast_in_dim3A_215 : f32 to vector<128x1xf32>
    %dot_general3A_217 = arith.constant dense<0.000000e+00> : vector<784x1xf32>
    %dot_general3A_218 = tpu.matmul %get3A_211, %broadcast_in_dim3A_216, %dot_general3A_217 {dimension_numbers = #tpu.dot_dimension_numbers<[1], [0], [0], [1], [0, 0, 1, 1], [], []>, transpose_lhs_hint = false} : vector<784x128xf32>, vector<128x1xf32>, vector<784x1xf32> -> vector<784x1xf32>
    %iota3A_219 = tpu.iota {dimensions = array<i32: 0>} : vector<784x784xi32>
    %iota3A_220 = tpu.iota {dimensions = array<i32: 1>} : vector<784x784xi32>
    %le3A_221 = arith.cmpi sle, %iota3A_220, %iota3A_219 : vector<784x784xi32>
    %convert_element_type3A_222 = arith.extui %le3A_221 : vector<784x784xi1> to vector<784x784xi32>
    %convert_element_type3A_223 = arith.sitofp %convert_element_type3A_222 : vector<784x784xi32> to vector<784x784xf32>
    %dot_general3A_224 = arith.constant dense<0.000000e+00> : vector<784x1xf32>
    %dot_general3A_225 = tpu.matmul %convert_element_type3A_223, %dot_general3A_218, %dot_general3A_224 {dimension_numbers = #tpu.dot_dimension_numbers<[1], [0], [0], [1], [0, 0, 1, 1], [], []>, transpose_lhs_hint = false} : vector<784x784xf32>, vector<784x1xf32>, vector<784x1xf32> -> vector<784x1xf32>
    %iota3A_226 = tpu.iota {dimensions = array<i32: 0>} : vector<128x128xi32>
    %iota3A_227 = tpu.iota {dimensions = array<i32: 1>} : vector<128x128xi32>
    %le3A_228 = arith.cmpi sle, %iota3A_227, %iota3A_226 : vector<128x128xi32>
    %convert_element_type3A_229 = arith.extui %le3A_228 : vector<128x128xi1> to vector<128x128xi32>
    %convert_element_type3A_230 = arith.sitofp %convert_element_type3A_229 : vector<128x128xi32> to vector<128x128xf32>
    %dot_general3A_231 = arith.constant dense<0.000000e+00> : vector<128x784xf32>
    %dot_general3A_232 = tpu.matmul %convert_element_type3A_230, %get3A_214, %dot_general3A_231 {dimension_numbers = #tpu.dot_dimension_numbers<[1], [0], [0], [1], [0, 0, 1, 1], [], []>, transpose_lhs_hint = false} : vector<128x128xf32>, vector<128x784xf32>, vector<128x784xf32> -> vector<128x784xf32>
    %le3A_233 = vector.broadcast %dot_general3A_225 : vector<784x1xf32> to vector<784x256xf32>
    %le3A_234 = vector.broadcast %concatenate3A : vector<1x256xf32> to vector<784x256xf32>
    %le3A_235 = arith.cmpf ole, %le3A_233, %le3A_234 : vector<784x256xf32>
    %convert_element_type3A_236 = arith.extui %le3A_235 : vector<784x256xi1> to vector<784x256xi32>
    %convert_element_type3A_237 = arith.sitofp %convert_element_type3A_236 : vector<784x256xi32> to vector<784x256xf32>
    %convert_element_type3A_238 = arith.fptosi %convert_element_type3A_237 : vector<784x256xf32> to vector<784x256xi32>
    %reduce_sum3A_239 = arith.constant dense<0> : vector<256xi32>
    %reduce_sum3A_240 = vector.multi_reduction <add>, %convert_element_type3A_238, %reduce_sum3A_239 [0] : vector<784x256xi32> to vector<256xi32>
    %broadcast_in_dim3A_241 = vector.shape_cast %reduce_sum3A_240 : vector<256xi32> to vector<1x256xi32>
    %mul3A_242 = vector.broadcast %dot_general3A_225 : vector<784x1xf32> to vector<784x256xf32>
    %mul3A_243 = arith.mulf %convert_element_type3A_237, %mul3A_242 : vector<784x256xf32>
    %reduce_max3A_244 = arith.constant dense<0xFF800000> : vector<256xf32>
    %reduce_max3A_245 = vector.multi_reduction <maximumf>, %mul3A_243, %reduce_max3A_244 [0] : vector<784x256xf32> to vector<256xf32>
    %broadcast_in_dim3A_246 = vector.shape_cast %reduce_max3A_245 : vector<256xf32> to vector<1x256xf32>
    %sub3A_247 = arith.subf %concatenate3A, %broadcast_in_dim3A_246 : vector<1x256xf32>
    %iota3A_248 = tpu.iota {dimensions = array<i32: 0>} : vector<784x1xi32>
    %eq3A_249 = vector.broadcast %iota3A_248 : vector<784x1xi32> to vector<784x256xi32>
    %eq3A_250 = vector.broadcast %broadcast_in_dim3A_241 : vector<1x256xi32> to vector<784x256xi32>
    %eq3A_251 = arith.cmpi eq, %eq3A_249, %eq3A_250 : vector<784x256xi32>
    %convert_element_type3A_252 = arith.extui %eq3A_251 : vector<784x256xi1> to vector<784x256xi32>
    %convert_element_type3A_253 = arith.sitofp %convert_element_type3A_252 : vector<784x256xi32> to vector<784x256xf32>
    %dot_general3A_254 = arith.constant dense<0.000000e+00> : vector<128x256xf32>
    %dot_general3A_255 = tpu.matmul %dot_general3A_232, %convert_element_type3A_253, %dot_general3A_254 {dimension_numbers = #tpu.dot_dimension_numbers<[1], [0], [0], [1], [0, 0, 1, 1], [], []>, transpose_lhs_hint = false} : vector<128x784xf32>, vector<784x256xf32>, vector<128x256xf32> -> vector<128x256xf32>
    %le3A_256 = vector.broadcast %sub3A_247 : vector<1x256xf32> to vector<128x256xf32>
    %le3A_257 = arith.cmpf ole, %dot_general3A_255, %le3A_256 : vector<128x256xf32>
    %convert_element_type3A_258 = arith.extui %le3A_257 : vector<128x256xi1> to vector<128x256xi32>
    %reduce_sum3A_259 = arith.constant dense<0> : vector<256xi32>
    %reduce_sum3A_260 = vector.multi_reduction <add>, %convert_element_type3A_258, %reduce_sum3A_259 [0] : vector<128x256xi32> to vector<256xi32>
    %broadcast_in_dim3A_261 = vector.shape_cast %reduce_sum3A_260 : vector<256xi32> to vector<1x256xi32>
    %mul3A_262 = arith.constant 128 : i32
    %mul3A_263 = vector.broadcast %mul3A_262 : i32 to vector<1x256xi32>
    %mul3A_264 = arith.muli %broadcast_in_dim3A_241, %mul3A_263 : vector<1x256xi32>
    %add3A_265 = arith.addi %mul3A_264, %broadcast_in_dim3A_261 : vector<1x256xi32>
    %jit3A_266 = arith.constant 0 : i32
    %jit3A_267 = arith.constant 99999 : i32
    %max3A_268 = vector.broadcast %jit3A_266 : i32 to vector<1x256xi32>
    %max3A_269 = arith.maxsi %max3A_268, %add3A_265 : vector<1x256xi32>
    %min3A_270 = vector.broadcast %jit3A_267 : i32 to vector<1x256xi32>
    %min3A_271 = arith.minsi %min3A_270, %max3A_269 : vector<1x256xi32>
    %slice3A = vector.extract_strided_slice %min3A_271 {offsets = [0, 0], sizes = [1, 128], strides = [1, 1]} : vector<1x256xi32> to vector<1x128xi32>
    %slice3A_272 = vector.extract_strided_slice %min3A_271 {offsets = [0, 128], sizes = [1, 128], strides = [1, 1]} : vector<1x256xi32> to vector<1x128xi32>
    %concatenate3A_273 = tpu.concatenate %min3A_96, %slice3A, %slice3A_272, %min3A_96, %min3A_96, %min3A_96, %min3A_96, %min3A_96 in 0 : vector<1x128xi32>, vector<1x128xi32>, vector<1x128xi32>, vector<1x128xi32>, vector<1x128xi32>, vector<1x128xi32>, vector<1x128xi32>, vector<1x128xi32> -> vector<8x128xi32>
    %swap3A = arith.constant 0 : index
    %swap3A_274 = arith.constant 0 : index
    %swap3A_275 = vector.load %arg4[%swap3A, %swap3A_274] : memref<8x128xi32, #tpu.memory_space<vmem>>, vector<8x128xi32>
    tpu.vector_store %arg4[%swap3A, %swap3A_274], %concatenate3A_273 {strides = array<i32>} : memref<8x128xi32, #tpu.memory_space<vmem>>, vector<8x128xi32>,
    return
  }
}

module attributes {stable_mosaic.version = 14 : i64} {
  func.func @_loss_kernel(%arg0: memref<2048x128xf32, #tpu.memory_space<vmem>>, %arg1: memref<2048x128xf32, #tpu.memory_space<vmem>>, %arg2: memref<2048x128xf32, #tpu.memory_space<vmem>>, %arg3: memref<128x128xf32, #tpu.memory_space<vmem>>, %arg4: memref<128x128xf32, #tpu.memory_space<vmem>>, %arg5: memref<128x128xf32, #tpu.memory_space<vmem>>, %arg6: memref<1x64xf32, #tpu.memory_space<vmem>>, %arg7: memref<1x64xf32, #tpu.memory_space<vmem>>, %arg8: memref<1x64xf32, #tpu.memory_space<vmem>>, %arg9: memref<1x1xf32, #tpu.memory_space<vmem>>) attributes {dimension_semantics = [], scalar_prefetch = 0 : i64, scratch_operands = 0 : i64, tpu.core_type = #tpu.core_type<tc>} {
    %iota3A = tpu.iota {dimensions = array<i32: 1>} : vector<1x256xi32>
    %lt3A = arith.constant 50 : i32
    %lt3A_0 = vector.broadcast %lt3A : i32 to vector<1x256xi32>
    %lt3A_1 = arith.cmpi slt, %iota3A, %lt3A_0 : vector<1x256xi32>
    %ge3A = arith.constant 128 : i32
    %ge3A_2 = vector.broadcast %ge3A : i32 to vector<1x256xi32>
    %ge3A_3 = arith.cmpi sge, %iota3A, %ge3A_2 : vector<1x256xi32>
    %lt3A_4 = arith.constant 178 : i32
    %lt3A_5 = vector.broadcast %lt3A_4 : i32 to vector<1x256xi32>
    %lt3A_6 = arith.cmpi slt, %iota3A, %lt3A_5 : vector<1x256xi32>
    %and3A = arith.andi %ge3A_3, %lt3A_6 : vector<1x256xi1>
    %or3A = arith.ori %lt3A_1, %and3A : vector<1x256xi1>
    %convert_element_type3A = arith.extui %or3A : vector<1x256xi1> to vector<1x256xi32>
    %convert_element_type3A_7 = arith.sitofp %convert_element_type3A : vector<1x256xi32> to vector<1x256xf32>
    %iota3A_8 = tpu.iota {dimensions = array<i32: 0>} : vector<128x1xi32>
    %lt3A_9 = arith.constant 50 : i32
    %lt3A_10 = vector.broadcast %lt3A_9 : i32 to vector<128x1xi32>
    %lt3A_11 = arith.cmpi slt, %iota3A_8, %lt3A_10 : vector<128x1xi32>
    %convert_element_type3A_12 = arith.extui %lt3A_11 : vector<128x1xi1> to vector<128x1xi32>
    %convert_element_type3A_13 = arith.sitofp %convert_element_type3A_12 : vector<128x1xi32> to vector<128x1xf32>
    %get3A = arith.constant 0 : index
    %get3A_14 = arith.constant 0 : index
    %get3A_15 = vector.load %arg0[%get3A, %get3A_14] : memref<2048x128xf32, #tpu.memory_space<vmem>>, vector<2048x128xf32>
    %get3A_16 = arith.constant 0 : index
    %get3A_17 = arith.constant 0 : index
    %get3A_18 = vector.load %arg1[%get3A_16, %get3A_17] : memref<2048x128xf32, #tpu.memory_space<vmem>>, vector<2048x128xf32>
    %get3A_19 = arith.constant 0 : index
    %get3A_20 = arith.constant 0 : index
    %get3A_21 = vector.load %arg2[%get3A_19, %get3A_20] : memref<2048x128xf32, #tpu.memory_space<vmem>>, vector<2048x128xf32>
    %get3A_22 = arith.constant 0 : index
    %get3A_23 = arith.constant 0 : index
    %get3A_24 = vector.load %arg3[%get3A_22, %get3A_23] : memref<128x128xf32, #tpu.memory_space<vmem>>, vector<128x128xf32>
    %get3A_25 = arith.constant 0 : index
    %get3A_26 = arith.constant 0 : index
    %get3A_27 = vector.load %arg6[%get3A_25, %get3A_26] : memref<1x64xf32, #tpu.memory_space<vmem>>, vector<1x64xf32>
    %concatenate3A = tpu.concatenate %get3A_27, %get3A_27 in 1 : vector<1x64xf32>, vector<1x64xf32> -> vector<1x128xf32>
    %add3A = vector.broadcast %concatenate3A : vector<1x128xf32> to vector<2048x128xf32>
    %add3A_28 = arith.addf %get3A_15, %add3A : vector<2048x128xf32>
    %mul3A = arith.mulf %add3A_28, %get3A_18 : vector<2048x128xf32>
    %slice3A = vector.extract_strided_slice %mul3A {offsets = [0, 0], sizes = [2048, 64], strides = [1, 1]} : vector<2048x128xf32> to vector<2048x64xf32>
    %reduce_sum3A = arith.constant dense<0.000000e+00> : vector<2048xf32>
    %reduce_sum3A_29 = vector.multi_reduction <add>, %slice3A, %reduce_sum3A [1] : vector<2048x64xf32> to vector<2048xf32>
    %broadcast_in_dim3A = vector.shape_cast %reduce_sum3A_29 : vector<2048xf32> to vector<2048x1xf32>
    %slice3A_30 = vector.extract_strided_slice %mul3A {offsets = [0, 64], sizes = [2048, 64], strides = [1, 1]} : vector<2048x128xf32> to vector<2048x64xf32>
    %reduce_sum3A_31 = arith.constant dense<0.000000e+00> : vector<2048xf32>
    %reduce_sum3A_32 = vector.multi_reduction <add>, %slice3A_30, %reduce_sum3A_31 [1] : vector<2048x64xf32> to vector<2048xf32>
    %broadcast_in_dim3A_33 = vector.shape_cast %reduce_sum3A_32 : vector<2048xf32> to vector<2048x1xf32>
    %neg3A = arith.constant 0.000000e+00 : f32
    %neg3A_34 = vector.broadcast %neg3A : f32 to vector<2048x1xf32>
    %neg3A_35 = arith.subf %neg3A_34, %broadcast_in_dim3A : vector<2048x1xf32>
    %exp3A = math.exp %neg3A_35 : vector<2048x1xf32>
    %add3A_36 = arith.constant 1.000000e+00 : f32
    %add3A_37 = vector.broadcast %add3A_36 : f32 to vector<2048x1xf32>
    %add3A_38 = arith.addf %add3A_37, %exp3A : vector<2048x1xf32>
    %log3A = math.log %add3A_38 : vector<2048x1xf32>
    %reduce_sum3A_39 = vector.shape_cast %log3A : vector<2048x1xf32> to vector<1x2048x1xf32>
    %reduce_sum3A_40 = arith.constant dense<0.000000e+00> : vector<1xf32>
    %reduce_sum3A_41 = vector.multi_reduction <add>, %reduce_sum3A_39, %reduce_sum3A_40 [1, 2] : vector<1x2048x1xf32> to vector<1xf32>
    %reduce_sum3A_42 = vector.shape_cast %reduce_sum3A_41 : vector<1xf32> to vector<1x1x1xf32>
    %reduce_sum3A_43 = vector.extract %reduce_sum3A_42[0, 0, 0] : f32 from vector<1x1x1xf32>
    %neg3A_44 = arith.constant 0.000000e+00 : f32
    %neg3A_45 = vector.broadcast %neg3A_44 : f32 to vector<2048x1xf32>
    %neg3A_46 = arith.subf %neg3A_45, %broadcast_in_dim3A_33 : vector<2048x1xf32>
    %exp3A_47 = math.exp %neg3A_46 : vector<2048x1xf32>
    %add3A_48 = arith.constant 1.000000e+00 : f32
    %add3A_49 = vector.broadcast %add3A_48 : f32 to vector<2048x1xf32>
    %add3A_50 = arith.addf %add3A_49, %exp3A_47 : vector<2048x1xf32>
    %log3A_51 = math.log %add3A_50 : vector<2048x1xf32>
    %reduce_sum3A_52 = vector.shape_cast %log3A_51 : vector<2048x1xf32> to vector<1x2048x1xf32>
    %reduce_sum3A_53 = arith.constant dense<0.000000e+00> : vector<1xf32>
    %reduce_sum3A_54 = vector.multi_reduction <add>, %reduce_sum3A_52, %reduce_sum3A_53 [1, 2] : vector<1x2048x1xf32> to vector<1xf32>
    %reduce_sum3A_55 = vector.shape_cast %reduce_sum3A_54 : vector<1xf32> to vector<1x1x1xf32>
    %reduce_sum3A_56 = vector.extract %reduce_sum3A_55[0, 0, 0] : f32 from vector<1x1x1xf32>
    %add3A_57 = arith.addf %reduce_sum3A_43, %reduce_sum3A_56 : f32
    %slice3A_58 = vector.extract_strided_slice %get3A_24 {offsets = [0, 0], sizes = [128, 64], strides = [1, 1]} : vector<128x128xf32> to vector<128x64xf32>
    %slice3A_59 = vector.extract_strided_slice %get3A_24 {offsets = [0, 64], sizes = [128, 64], strides = [1, 1]} : vector<128x128xf32> to vector<128x64xf32>
    %concatenate3A_60 = tpu.concatenate %slice3A_58, %slice3A_59 in 0 : vector<128x64xf32>, vector<128x64xf32> -> vector<256x64xf32>
    %slice3A_61 = vector.extract_strided_slice %add3A_28 {offsets = [0, 0], sizes = [2048, 64], strides = [1, 1]} : vector<2048x128xf32> to vector<2048x64xf32>
    %dot_general3A = arith.constant dense<0.000000e+00> : vector<2048x256xf32>
    %dot_general3A_62 = tpu.matmul %slice3A_61, %concatenate3A_60, %dot_general3A {dimension_numbers = #tpu.dot_dimension_numbers<[1], [1], [0], [0], [0, 0, 1, 0], [], []>, transpose_lhs_hint = false} : vector<2048x64xf32>, vector<256x64xf32>, vector<2048x256xf32> -> vector<2048x256xf32>
    %slice3A_63 = vector.extract_strided_slice %add3A_28 {offsets = [0, 64], sizes = [2048, 64], strides = [1, 1]} : vector<2048x128xf32> to vector<2048x64xf32>
    %dot_general3A_64 = arith.constant dense<0.000000e+00> : vector<2048x256xf32>
    %dot_general3A_65 = tpu.matmul %slice3A_63, %concatenate3A_60, %dot_general3A_64 {dimension_numbers = #tpu.dot_dimension_numbers<[1], [1], [0], [0], [0, 0, 1, 0], [], []>, transpose_lhs_hint = false} : vector<2048x64xf32>, vector<256x64xf32>, vector<2048x256xf32> -> vector<2048x256xf32>
    %exp3A_66 = math.exp %dot_general3A_62 : vector<2048x256xf32>
    %add3A_67 = arith.constant 1.000000e+00 : f32
    %add3A_68 = vector.broadcast %add3A_67 : f32 to vector<2048x256xf32>
    %add3A_69 = arith.addf %add3A_68, %exp3A_66 : vector<2048x256xf32>
    %log3A_70 = math.log %add3A_69 : vector<2048x256xf32>
    %mul3A_71 = vector.broadcast %convert_element_type3A_7 : vector<1x256xf32> to vector<2048x256xf32>
    %mul3A_72 = arith.mulf %log3A_70, %mul3A_71 : vector<2048x256xf32>
    %reduce_sum3A_73 = vector.shape_cast %mul3A_72 : vector<2048x256xf32> to vector<1x2048x256xf32>
    %reduce_sum3A_74 = arith.constant dense<0.000000e+00> : vector<1xf32>
    %reduce_sum3A_75 = vector.multi_reduction <add>, %reduce_sum3A_73, %reduce_sum3A_74 [1, 2] : vector<1x2048x256xf32> to vector<1xf32>
    %reduce_sum3A_76 = vector.shape_cast %reduce_sum3A_75 : vector<1xf32> to vector<1x1x1xf32>
    %reduce_sum3A_77 = vector.extract %reduce_sum3A_76[0, 0, 0] : f32 from vector<1x1x1xf32>
    %exp3A_78 = math.exp %dot_general3A_65 : vector<2048x256xf32>
    %add3A_79 = arith.constant 1.000000e+00 : f32
    %add3A_80 = vector.broadcast %add3A_79 : f32 to vector<2048x256xf32>
    %add3A_81 = arith.addf %add3A_80, %exp3A_78 : vector<2048x256xf32>
    %log3A_82 = math.log %add3A_81 : vector<2048x256xf32>
    %mul3A_83 = vector.broadcast %convert_element_type3A_7 : vector<1x256xf32> to vector<2048x256xf32>
    %mul3A_84 = arith.mulf %log3A_82, %mul3A_83 : vector<2048x256xf32>
    %reduce_sum3A_85 = vector.shape_cast %mul3A_84 : vector<2048x256xf32> to vector<1x2048x256xf32>
    %reduce_sum3A_86 = arith.constant dense<0.000000e+00> : vector<1xf32>
    %reduce_sum3A_87 = vector.multi_reduction <add>, %reduce_sum3A_85, %reduce_sum3A_86 [1, 2] : vector<1x2048x256xf32> to vector<1xf32>
    %reduce_sum3A_88 = vector.shape_cast %reduce_sum3A_87 : vector<1xf32> to vector<1x1x1xf32>
    %reduce_sum3A_89 = vector.extract %reduce_sum3A_88[0, 0, 0] : f32 from vector<1x1x1xf32>
    %add3A_90 = arith.addf %reduce_sum3A_77, %reduce_sum3A_89 : f32
    %add3A_91 = arith.addf %add3A_57, %add3A_90 : f32
    %mul3A_92 = arith.constant 2.44140625E-4 : f32
    %mul3A_93 = arith.mulf %add3A_91, %mul3A_92 : f32
    %mul3A_94 = arith.mulf %get3A_15, %get3A_15 : vector<2048x128xf32>
    %reduce_sum3A_95 = vector.shape_cast %mul3A_94 : vector<2048x128xf32> to vector<1x2048x128xf32>
    %reduce_sum3A_96 = arith.constant dense<0.000000e+00> : vector<1xf32>
    %reduce_sum3A_97 = vector.multi_reduction <add>, %reduce_sum3A_95, %reduce_sum3A_96 [1, 2] : vector<1x2048x128xf32> to vector<1xf32>
    %reduce_sum3A_98 = vector.shape_cast %reduce_sum3A_97 : vector<1xf32> to vector<1x1x1xf32>
    %reduce_sum3A_99 = vector.extract %reduce_sum3A_98[0, 0, 0] : f32 from vector<1x1x1xf32>
    %sqrt3A = math.sqrt %reduce_sum3A_99 : f32
    %mul3A_100 = arith.mulf %get3A_18, %get3A_18 : vector<2048x128xf32>
    %reduce_sum3A_101 = vector.shape_cast %mul3A_100 : vector<2048x128xf32> to vector<1x2048x128xf32>
    %reduce_sum3A_102 = arith.constant dense<0.000000e+00> : vector<1xf32>
    %reduce_sum3A_103 = vector.multi_reduction <add>, %reduce_sum3A_101, %reduce_sum3A_102 [1, 2] : vector<1x2048x128xf32> to vector<1xf32>
    %reduce_sum3A_104 = vector.shape_cast %reduce_sum3A_103 : vector<1xf32> to vector<1x1x1xf32>
    %reduce_sum3A_105 = vector.extract %reduce_sum3A_104[0, 0, 0] : f32 from vector<1x1x1xf32>
    %sqrt3A_106 = math.sqrt %reduce_sum3A_105 : f32
    %add3A_107 = arith.addf %sqrt3A, %sqrt3A_106 : f32
    %mul3A_108 = arith.mulf %get3A_24, %get3A_24 : vector<128x128xf32>
    %mul3A_109 = vector.broadcast %convert_element_type3A_13 : vector<128x1xf32> to vector<128x128xf32>
    %mul3A_110 = arith.mulf %mul3A_108, %mul3A_109 : vector<128x128xf32>
    %reduce_sum3A_111 = vector.shape_cast %mul3A_110 : vector<128x128xf32> to vector<1x128x128xf32>
    %reduce_sum3A_112 = arith.constant dense<0.000000e+00> : vector<1xf32>
    %reduce_sum3A_113 = vector.multi_reduction <add>, %reduce_sum3A_111, %reduce_sum3A_112 [1, 2] : vector<1x128x128xf32> to vector<1xf32>
    %reduce_sum3A_114 = vector.shape_cast %reduce_sum3A_113 : vector<1xf32> to vector<1x1x1xf32>
    %reduce_sum3A_115 = vector.extract %reduce_sum3A_114[0, 0, 0] : f32 from vector<1x1x1xf32>
    %sqrt3A_116 = math.sqrt %reduce_sum3A_115 : f32
    %add3A_117 = arith.addf %add3A_107, %sqrt3A_116 : f32
    %mul3A_118 = arith.constant 1.000000e-03 : f32
    %mul3A_119 = arith.mulf %mul3A_118, %add3A_117 : f32
    %add3A_120 = arith.addf %mul3A_93, %mul3A_119 : f32
    %get3A_121 = arith.constant 0 : index
    %get3A_122 = arith.constant 0 : index
    %get3A_123 = vector.load %arg4[%get3A_121, %get3A_122] : memref<128x128xf32, #tpu.memory_space<vmem>>, vector<128x128xf32>
    %get3A_124 = arith.constant 0 : index
    %get3A_125 = arith.constant 0 : index
    %get3A_126 = vector.load %arg7[%get3A_124, %get3A_125] : memref<1x64xf32, #tpu.memory_space<vmem>>, vector<1x64xf32>
    %concatenate3A_127 = tpu.concatenate %get3A_126, %get3A_126 in 1 : vector<1x64xf32>, vector<1x64xf32> -> vector<1x128xf32>
    %add3A_128 = vector.broadcast %concatenate3A_127 : vector<1x128xf32> to vector<2048x128xf32>
    %add3A_129 = arith.addf %get3A_15, %add3A_128 : vector<2048x128xf32>
    %mul3A_130 = arith.mulf %add3A_129, %get3A_21 : vector<2048x128xf32>
    %slice3A_131 = vector.extract_strided_slice %mul3A_130 {offsets = [0, 0], sizes = [2048, 64], strides = [1, 1]} : vector<2048x128xf32> to vector<2048x64xf32>
    %reduce_sum3A_132 = arith.constant dense<0.000000e+00> : vector<2048xf32>
    %reduce_sum3A_133 = vector.multi_reduction <add>, %slice3A_131, %reduce_sum3A_132 [1] : vector<2048x64xf32> to vector<2048xf32>
    %broadcast_in_dim3A_134 = vector.shape_cast %reduce_sum3A_133 : vector<2048xf32> to vector<2048x1xf32>
    %slice3A_135 = vector.extract_strided_slice %mul3A_130 {offsets = [0, 64], sizes = [2048, 64], strides = [1, 1]} : vector<2048x128xf32> to vector<2048x64xf32>
    %reduce_sum3A_136 = arith.constant dense<0.000000e+00> : vector<2048xf32>
    %reduce_sum3A_137 = vector.multi_reduction <add>, %slice3A_135, %reduce_sum3A_136 [1] : vector<2048x64xf32> to vector<2048xf32>
    %broadcast_in_dim3A_138 = vector.shape_cast %reduce_sum3A_137 : vector<2048xf32> to vector<2048x1xf32>
    %neg3A_139 = arith.constant 0.000000e+00 : f32
    %neg3A_140 = vector.broadcast %neg3A_139 : f32 to vector<2048x1xf32>
    %neg3A_141 = arith.subf %neg3A_140, %broadcast_in_dim3A_134 : vector<2048x1xf32>
    %exp3A_142 = math.exp %neg3A_141 : vector<2048x1xf32>
    %add3A_143 = arith.constant 1.000000e+00 : f32
    %add3A_144 = vector.broadcast %add3A_143 : f32 to vector<2048x1xf32>
    %add3A_145 = arith.addf %add3A_144, %exp3A_142 : vector<2048x1xf32>
    %log3A_146 = math.log %add3A_145 : vector<2048x1xf32>
    %reduce_sum3A_147 = vector.shape_cast %log3A_146 : vector<2048x1xf32> to vector<1x2048x1xf32>
    %reduce_sum3A_148 = arith.constant dense<0.000000e+00> : vector<1xf32>
    %reduce_sum3A_149 = vector.multi_reduction <add>, %reduce_sum3A_147, %reduce_sum3A_148 [1, 2] : vector<1x2048x1xf32> to vector<1xf32>
    %reduce_sum3A_150 = vector.shape_cast %reduce_sum3A_149 : vector<1xf32> to vector<1x1x1xf32>
    %reduce_sum3A_151 = vector.extract %reduce_sum3A_150[0, 0, 0] : f32 from vector<1x1x1xf32>
    %neg3A_152 = arith.constant 0.000000e+00 : f32
    %neg3A_153 = vector.broadcast %neg3A_152 : f32 to vector<2048x1xf32>
    %neg3A_154 = arith.subf %neg3A_153, %broadcast_in_dim3A_138 : vector<2048x1xf32>
    %exp3A_155 = math.exp %neg3A_154 : vector<2048x1xf32>
    %add3A_156 = arith.constant 1.000000e+00 : f32
    %add3A_157 = vector.broadcast %add3A_156 : f32 to vector<2048x1xf32>
    %add3A_158 = arith.addf %add3A_157, %exp3A_155 : vector<2048x1xf32>
    %log3A_159 = math.log %add3A_158 : vector<2048x1xf32>
    %reduce_sum3A_160 = vector.shape_cast %log3A_159 : vector<2048x1xf32> to vector<1x2048x1xf32>
    %reduce_sum3A_161 = arith.constant dense<0.000000e+00> : vector<1xf32>
    %reduce_sum3A_162 = vector.multi_reduction <add>, %reduce_sum3A_160, %reduce_sum3A_161 [1, 2] : vector<1x2048x1xf32> to vector<1xf32>
    %reduce_sum3A_163 = vector.shape_cast %reduce_sum3A_162 : vector<1xf32> to vector<1x1x1xf32>
    %reduce_sum3A_164 = vector.extract %reduce_sum3A_163[0, 0, 0] : f32 from vector<1x1x1xf32>
    %add3A_165 = arith.addf %reduce_sum3A_151, %reduce_sum3A_164 : f32
    %slice3A_166 = vector.extract_strided_slice %get3A_123 {offsets = [0, 0], sizes = [128, 64], strides = [1, 1]} : vector<128x128xf32> to vector<128x64xf32>
    %slice3A_167 = vector.extract_strided_slice %get3A_123 {offsets = [0, 64], sizes = [128, 64], strides = [1, 1]} : vector<128x128xf32> to vector<128x64xf32>
    %concatenate3A_168 = tpu.concatenate %slice3A_166, %slice3A_167 in 0 : vector<128x64xf32>, vector<128x64xf32> -> vector<256x64xf32>
    %slice3A_169 = vector.extract_strided_slice %add3A_129 {offsets = [0, 0], sizes = [2048, 64], strides = [1, 1]} : vector<2048x128xf32> to vector<2048x64xf32>
    %dot_general3A_170 = arith.constant dense<0.000000e+00> : vector<2048x256xf32>
    %dot_general3A_171 = tpu.matmul %slice3A_169, %concatenate3A_168, %dot_general3A_170 {dimension_numbers = #tpu.dot_dimension_numbers<[1], [1], [0], [0], [0, 0, 1, 0], [], []>, transpose_lhs_hint = false} : vector<2048x64xf32>, vector<256x64xf32>, vector<2048x256xf32> -> vector<2048x256xf32>
    %slice3A_172 = vector.extract_strided_slice %add3A_129 {offsets = [0, 64], sizes = [2048, 64], strides = [1, 1]} : vector<2048x128xf32> to vector<2048x64xf32>
    %dot_general3A_173 = arith.constant dense<0.000000e+00> : vector<2048x256xf32>
    %dot_general3A_174 = tpu.matmul %slice3A_172, %concatenate3A_168, %dot_general3A_173 {dimension_numbers = #tpu.dot_dimension_numbers<[1], [1], [0], [0], [0, 0, 1, 0], [], []>, transpose_lhs_hint = false} : vector<2048x64xf32>, vector<256x64xf32>, vector<2048x256xf32> -> vector<2048x256xf32>
    %exp3A_175 = math.exp %dot_general3A_171 : vector<2048x256xf32>
    %add3A_176 = arith.constant 1.000000e+00 : f32
    %add3A_177 = vector.broadcast %add3A_176 : f32 to vector<2048x256xf32>
    %add3A_178 = arith.addf %add3A_177, %exp3A_175 : vector<2048x256xf32>
    %log3A_179 = math.log %add3A_178 : vector<2048x256xf32>
    %mul3A_180 = vector.broadcast %convert_element_type3A_7 : vector<1x256xf32> to vector<2048x256xf32>
    %mul3A_181 = arith.mulf %log3A_179, %mul3A_180 : vector<2048x256xf32>
    %reduce_sum3A_182 = vector.shape_cast %mul3A_181 : vector<2048x256xf32> to vector<1x2048x256xf32>
    %reduce_sum3A_183 = arith.constant dense<0.000000e+00> : vector<1xf32>
    %reduce_sum3A_184 = vector.multi_reduction <add>, %reduce_sum3A_182, %reduce_sum3A_183 [1, 2] : vector<1x2048x256xf32> to vector<1xf32>
    %reduce_sum3A_185 = vector.shape_cast %reduce_sum3A_184 : vector<1xf32> to vector<1x1x1xf32>
    %reduce_sum3A_186 = vector.extract %reduce_sum3A_185[0, 0, 0] : f32 from vector<1x1x1xf32>
    %exp3A_187 = math.exp %dot_general3A_174 : vector<2048x256xf32>
    %add3A_188 = arith.constant 1.000000e+00 : f32
    %add3A_189 = vector.broadcast %add3A_188 : f32 to vector<2048x256xf32>
    %add3A_190 = arith.addf %add3A_189, %exp3A_187 : vector<2048x256xf32>
    %log3A_191 = math.log %add3A_190 : vector<2048x256xf32>
    %mul3A_192 = vector.broadcast %convert_element_type3A_7 : vector<1x256xf32> to vector<2048x256xf32>
    %mul3A_193 = arith.mulf %log3A_191, %mul3A_192 : vector<2048x256xf32>
    %reduce_sum3A_194 = vector.shape_cast %mul3A_193 : vector<2048x256xf32> to vector<1x2048x256xf32>
    %reduce_sum3A_195 = arith.constant dense<0.000000e+00> : vector<1xf32>
    %reduce_sum3A_196 = vector.multi_reduction <add>, %reduce_sum3A_194, %reduce_sum3A_195 [1, 2] : vector<1x2048x256xf32> to vector<1xf32>
    %reduce_sum3A_197 = vector.shape_cast %reduce_sum3A_196 : vector<1xf32> to vector<1x1x1xf32>
    %reduce_sum3A_198 = vector.extract %reduce_sum3A_197[0, 0, 0] : f32 from vector<1x1x1xf32>
    %add3A_199 = arith.addf %reduce_sum3A_186, %reduce_sum3A_198 : f32
    %add3A_200 = arith.addf %add3A_165, %add3A_199 : f32
    %mul3A_201 = arith.constant 2.44140625E-4 : f32
    %mul3A_202 = arith.mulf %add3A_200, %mul3A_201 : f32
    %mul3A_203 = arith.mulf %get3A_15, %get3A_15 : vector<2048x128xf32>
    %reduce_sum3A_204 = vector.shape_cast %mul3A_203 : vector<2048x128xf32> to vector<1x2048x128xf32>
    %reduce_sum3A_205 = arith.constant dense<0.000000e+00> : vector<1xf32>
    %reduce_sum3A_206 = vector.multi_reduction <add>, %reduce_sum3A_204, %reduce_sum3A_205 [1, 2] : vector<1x2048x128xf32> to vector<1xf32>
    %reduce_sum3A_207 = vector.shape_cast %reduce_sum3A_206 : vector<1xf32> to vector<1x1x1xf32>
    %reduce_sum3A_208 = vector.extract %reduce_sum3A_207[0, 0, 0] : f32 from vector<1x1x1xf32>
    %sqrt3A_209 = math.sqrt %reduce_sum3A_208 : f32
    %mul3A_210 = arith.mulf %get3A_21, %get3A_21 : vector<2048x128xf32>
    %reduce_sum3A_211 = vector.shape_cast %mul3A_210 : vector<2048x128xf32> to vector<1x2048x128xf32>
    %reduce_sum3A_212 = arith.constant dense<0.000000e+00> : vector<1xf32>
    %reduce_sum3A_213 = vector.multi_reduction <add>, %reduce_sum3A_211, %reduce_sum3A_212 [1, 2] : vector<1x2048x128xf32> to vector<1xf32>
    %reduce_sum3A_214 = vector.shape_cast %reduce_sum3A_213 : vector<1xf32> to vector<1x1x1xf32>
    %reduce_sum3A_215 = vector.extract %reduce_sum3A_214[0, 0, 0] : f32 from vector<1x1x1xf32>
    %sqrt3A_216 = math.sqrt %reduce_sum3A_215 : f32
    %add3A_217 = arith.addf %sqrt3A_209, %sqrt3A_216 : f32
    %mul3A_218 = arith.mulf %get3A_123, %get3A_123 : vector<128x128xf32>
    %mul3A_219 = vector.broadcast %convert_element_type3A_13 : vector<128x1xf32> to vector<128x128xf32>
    %mul3A_220 = arith.mulf %mul3A_218, %mul3A_219 : vector<128x128xf32>
    %reduce_sum3A_221 = vector.shape_cast %mul3A_220 : vector<128x128xf32> to vector<1x128x128xf32>
    %reduce_sum3A_222 = arith.constant dense<0.000000e+00> : vector<1xf32>
    %reduce_sum3A_223 = vector.multi_reduction <add>, %reduce_sum3A_221, %reduce_sum3A_222 [1, 2] : vector<1x128x128xf32> to vector<1xf32>
    %reduce_sum3A_224 = vector.shape_cast %reduce_sum3A_223 : vector<1xf32> to vector<1x1x1xf32>
    %reduce_sum3A_225 = vector.extract %reduce_sum3A_224[0, 0, 0] : f32 from vector<1x1x1xf32>
    %sqrt3A_226 = math.sqrt %reduce_sum3A_225 : f32
    %add3A_227 = arith.addf %add3A_217, %sqrt3A_226 : f32
    %mul3A_228 = arith.constant 1.000000e-03 : f32
    %mul3A_229 = arith.mulf %mul3A_228, %add3A_227 : f32
    %add3A_230 = arith.addf %mul3A_202, %mul3A_229 : f32
    %add3A_231 = arith.addf %add3A_120, %add3A_230 : f32
    %get3A_232 = arith.constant 0 : index
    %get3A_233 = arith.constant 0 : index
    %get3A_234 = vector.load %arg5[%get3A_232, %get3A_233] : memref<128x128xf32, #tpu.memory_space<vmem>>, vector<128x128xf32>
    %get3A_235 = arith.constant 0 : index
    %get3A_236 = arith.constant 0 : index
    %get3A_237 = vector.load %arg8[%get3A_235, %get3A_236] : memref<1x64xf32, #tpu.memory_space<vmem>>, vector<1x64xf32>
    %concatenate3A_238 = tpu.concatenate %get3A_237, %get3A_237 in 1 : vector<1x64xf32>, vector<1x64xf32> -> vector<1x128xf32>
    %add3A_239 = vector.broadcast %concatenate3A_238 : vector<1x128xf32> to vector<2048x128xf32>
    %add3A_240 = arith.addf %get3A_18, %add3A_239 : vector<2048x128xf32>
    %mul3A_241 = arith.mulf %add3A_240, %get3A_21 : vector<2048x128xf32>
    %slice3A_242 = vector.extract_strided_slice %mul3A_241 {offsets = [0, 0], sizes = [2048, 64], strides = [1, 1]} : vector<2048x128xf32> to vector<2048x64xf32>
    %reduce_sum3A_243 = arith.constant dense<0.000000e+00> : vector<2048xf32>
    %reduce_sum3A_244 = vector.multi_reduction <add>, %slice3A_242, %reduce_sum3A_243 [1] : vector<2048x64xf32> to vector<2048xf32>
    %broadcast_in_dim3A_245 = vector.shape_cast %reduce_sum3A_244 : vector<2048xf32> to vector<2048x1xf32>
    %slice3A_246 = vector.extract_strided_slice %mul3A_241 {offsets = [0, 64], sizes = [2048, 64], strides = [1, 1]} : vector<2048x128xf32> to vector<2048x64xf32>
    %reduce_sum3A_247 = arith.constant dense<0.000000e+00> : vector<2048xf32>
    %reduce_sum3A_248 = vector.multi_reduction <add>, %slice3A_246, %reduce_sum3A_247 [1] : vector<2048x64xf32> to vector<2048xf32>
    %broadcast_in_dim3A_249 = vector.shape_cast %reduce_sum3A_248 : vector<2048xf32> to vector<2048x1xf32>
    %neg3A_250 = arith.constant 0.000000e+00 : f32
    %neg3A_251 = vector.broadcast %neg3A_250 : f32 to vector<2048x1xf32>
    %neg3A_252 = arith.subf %neg3A_251, %broadcast_in_dim3A_245 : vector<2048x1xf32>
    %exp3A_253 = math.exp %neg3A_252 : vector<2048x1xf32>
    %add3A_254 = arith.constant 1.000000e+00 : f32
    %add3A_255 = vector.broadcast %add3A_254 : f32 to vector<2048x1xf32>
    %add3A_256 = arith.addf %add3A_255, %exp3A_253 : vector<2048x1xf32>
    %log3A_257 = math.log %add3A_256 : vector<2048x1xf32>
    %reduce_sum3A_258 = vector.shape_cast %log3A_257 : vector<2048x1xf32> to vector<1x2048x1xf32>
    %reduce_sum3A_259 = arith.constant dense<0.000000e+00> : vector<1xf32>
    %reduce_sum3A_260 = vector.multi_reduction <add>, %reduce_sum3A_258, %reduce_sum3A_259 [1, 2] : vector<1x2048x1xf32> to vector<1xf32>
    %reduce_sum3A_261 = vector.shape_cast %reduce_sum3A_260 : vector<1xf32> to vector<1x1x1xf32>
    %reduce_sum3A_262 = vector.extract %reduce_sum3A_261[0, 0, 0] : f32 from vector<1x1x1xf32>
    %neg3A_263 = arith.constant 0.000000e+00 : f32
    %neg3A_264 = vector.broadcast %neg3A_263 : f32 to vector<2048x1xf32>
    %neg3A_265 = arith.subf %neg3A_264, %broadcast_in_dim3A_249 : vector<2048x1xf32>
    %exp3A_266 = math.exp %neg3A_265 : vector<2048x1xf32>
    %add3A_267 = arith.constant 1.000000e+00 : f32
    %add3A_268 = vector.broadcast %add3A_267 : f32 to vector<2048x1xf32>
    %add3A_269 = arith.addf %add3A_268, %exp3A_266 : vector<2048x1xf32>
    %log3A_270 = math.log %add3A_269 : vector<2048x1xf32>
    %reduce_sum3A_271 = vector.shape_cast %log3A_270 : vector<2048x1xf32> to vector<1x2048x1xf32>
    %reduce_sum3A_272 = arith.constant dense<0.000000e+00> : vector<1xf32>
    %reduce_sum3A_273 = vector.multi_reduction <add>, %reduce_sum3A_271, %reduce_sum3A_272 [1, 2] : vector<1x2048x1xf32> to vector<1xf32>
    %reduce_sum3A_274 = vector.shape_cast %reduce_sum3A_273 : vector<1xf32> to vector<1x1x1xf32>
    %reduce_sum3A_275 = vector.extract %reduce_sum3A_274[0, 0, 0] : f32 from vector<1x1x1xf32>
    %add3A_276 = arith.addf %reduce_sum3A_262, %reduce_sum3A_275 : f32
    %slice3A_277 = vector.extract_strided_slice %get3A_234 {offsets = [0, 0], sizes = [128, 64], strides = [1, 1]} : vector<128x128xf32> to vector<128x64xf32>
    %slice3A_278 = vector.extract_strided_slice %get3A_234 {offsets = [0, 64], sizes = [128, 64], strides = [1, 1]} : vector<128x128xf32> to vector<128x64xf32>
    %concatenate3A_279 = tpu.concatenate %slice3A_277, %slice3A_278 in 0 : vector<128x64xf32>, vector<128x64xf32> -> vector<256x64xf32>
    %slice3A_280 = vector.extract_strided_slice %add3A_240 {offsets = [0, 0], sizes = [2048, 64], strides = [1, 1]} : vector<2048x128xf32> to vector<2048x64xf32>
    %dot_general3A_281 = arith.constant dense<0.000000e+00> : vector<2048x256xf32>
    %dot_general3A_282 = tpu.matmul %slice3A_280, %concatenate3A_279, %dot_general3A_281 {dimension_numbers = #tpu.dot_dimension_numbers<[1], [1], [0], [0], [0, 0, 1, 0], [], []>, transpose_lhs_hint = false} : vector<2048x64xf32>, vector<256x64xf32>, vector<2048x256xf32> -> vector<2048x256xf32>
    %slice3A_283 = vector.extract_strided_slice %add3A_240 {offsets = [0, 64], sizes = [2048, 64], strides = [1, 1]} : vector<2048x128xf32> to vector<2048x64xf32>
    %dot_general3A_284 = arith.constant dense<0.000000e+00> : vector<2048x256xf32>
    %dot_general3A_285 = tpu.matmul %slice3A_283, %concatenate3A_279, %dot_general3A_284 {dimension_numbers = #tpu.dot_dimension_numbers<[1], [1], [0], [0], [0, 0, 1, 0], [], []>, transpose_lhs_hint = false} : vector<2048x64xf32>, vector<256x64xf32>, vector<2048x256xf32> -> vector<2048x256xf32>
    %exp3A_286 = math.exp %dot_general3A_282 : vector<2048x256xf32>
    %add3A_287 = arith.constant 1.000000e+00 : f32
    %add3A_288 = vector.broadcast %add3A_287 : f32 to vector<2048x256xf32>
    %add3A_289 = arith.addf %add3A_288, %exp3A_286 : vector<2048x256xf32>
    %log3A_290 = math.log %add3A_289 : vector<2048x256xf32>
    %mul3A_291 = vector.broadcast %convert_element_type3A_7 : vector<1x256xf32> to vector<2048x256xf32>
    %mul3A_292 = arith.mulf %log3A_290, %mul3A_291 : vector<2048x256xf32>
    %reduce_sum3A_293 = vector.shape_cast %mul3A_292 : vector<2048x256xf32> to vector<1x2048x256xf32>
    %reduce_sum3A_294 = arith.constant dense<0.000000e+00> : vector<1xf32>
    %reduce_sum3A_295 = vector.multi_reduction <add>, %reduce_sum3A_293, %reduce_sum3A_294 [1, 2] : vector<1x2048x256xf32> to vector<1xf32>
    %reduce_sum3A_296 = vector.shape_cast %reduce_sum3A_295 : vector<1xf32> to vector<1x1x1xf32>
    %reduce_sum3A_297 = vector.extract %reduce_sum3A_296[0, 0, 0] : f32 from vector<1x1x1xf32>
    %exp3A_298 = math.exp %dot_general3A_285 : vector<2048x256xf32>
    %add3A_299 = arith.constant 1.000000e+00 : f32
    %add3A_300 = vector.broadcast %add3A_299 : f32 to vector<2048x256xf32>
    %add3A_301 = arith.addf %add3A_300, %exp3A_298 : vector<2048x256xf32>
    %log3A_302 = math.log %add3A_301 : vector<2048x256xf32>
    %mul3A_303 = vector.broadcast %convert_element_type3A_7 : vector<1x256xf32> to vector<2048x256xf32>
    %mul3A_304 = arith.mulf %log3A_302, %mul3A_303 : vector<2048x256xf32>
    %reduce_sum3A_305 = vector.shape_cast %mul3A_304 : vector<2048x256xf32> to vector<1x2048x256xf32>
    %reduce_sum3A_306 = arith.constant dense<0.000000e+00> : vector<1xf32>
    %reduce_sum3A_307 = vector.multi_reduction <add>, %reduce_sum3A_305, %reduce_sum3A_306 [1, 2] : vector<1x2048x256xf32> to vector<1xf32>
    %reduce_sum3A_308 = vector.shape_cast %reduce_sum3A_307 : vector<1xf32> to vector<1x1x1xf32>
    %reduce_sum3A_309 = vector.extract %reduce_sum3A_308[0, 0, 0] : f32 from vector<1x1x1xf32>
    %add3A_310 = arith.addf %reduce_sum3A_297, %reduce_sum3A_309 : f32
    %add3A_311 = arith.addf %add3A_276, %add3A_310 : f32
    %mul3A_312 = arith.constant 2.44140625E-4 : f32
    %mul3A_313 = arith.mulf %add3A_311, %mul3A_312 : f32
    %mul3A_314 = arith.mulf %get3A_18, %get3A_18 : vector<2048x128xf32>
    %reduce_sum3A_315 = vector.shape_cast %mul3A_314 : vector<2048x128xf32> to vector<1x2048x128xf32>
    %reduce_sum3A_316 = arith.constant dense<0.000000e+00> : vector<1xf32>
    %reduce_sum3A_317 = vector.multi_reduction <add>, %reduce_sum3A_315, %reduce_sum3A_316 [1, 2] : vector<1x2048x128xf32> to vector<1xf32>
    %reduce_sum3A_318 = vector.shape_cast %reduce_sum3A_317 : vector<1xf32> to vector<1x1x1xf32>
    %reduce_sum3A_319 = vector.extract %reduce_sum3A_318[0, 0, 0] : f32 from vector<1x1x1xf32>
    %sqrt3A_320 = math.sqrt %reduce_sum3A_319 : f32
    %mul3A_321 = arith.mulf %get3A_21, %get3A_21 : vector<2048x128xf32>
    %reduce_sum3A_322 = vector.shape_cast %mul3A_321 : vector<2048x128xf32> to vector<1x2048x128xf32>
    %reduce_sum3A_323 = arith.constant dense<0.000000e+00> : vector<1xf32>
    %reduce_sum3A_324 = vector.multi_reduction <add>, %reduce_sum3A_322, %reduce_sum3A_323 [1, 2] : vector<1x2048x128xf32> to vector<1xf32>
    %reduce_sum3A_325 = vector.shape_cast %reduce_sum3A_324 : vector<1xf32> to vector<1x1x1xf32>
    %reduce_sum3A_326 = vector.extract %reduce_sum3A_325[0, 0, 0] : f32 from vector<1x1x1xf32>
    %sqrt3A_327 = math.sqrt %reduce_sum3A_326 : f32
    %add3A_328 = arith.addf %sqrt3A_320, %sqrt3A_327 : f32
    %mul3A_329 = arith.mulf %get3A_234, %get3A_234 : vector<128x128xf32>
    %mul3A_330 = vector.broadcast %convert_element_type3A_13 : vector<128x1xf32> to vector<128x128xf32>
    %mul3A_331 = arith.mulf %mul3A_329, %mul3A_330 : vector<128x128xf32>
    %reduce_sum3A_332 = vector.shape_cast %mul3A_331 : vector<128x128xf32> to vector<1x128x128xf32>
    %reduce_sum3A_333 = arith.constant dense<0.000000e+00> : vector<1xf32>
    %reduce_sum3A_334 = vector.multi_reduction <add>, %reduce_sum3A_332, %reduce_sum3A_333 [1, 2] : vector<1x128x128xf32> to vector<1xf32>
    %reduce_sum3A_335 = vector.shape_cast %reduce_sum3A_334 : vector<1xf32> to vector<1x1x1xf32>
    %reduce_sum3A_336 = vector.extract %reduce_sum3A_335[0, 0, 0] : f32 from vector<1x1x1xf32>
    %sqrt3A_337 = math.sqrt %reduce_sum3A_336 : f32
    %add3A_338 = arith.addf %add3A_328, %sqrt3A_337 : f32
    %mul3A_339 = arith.constant 1.000000e-03 : f32
    %mul3A_340 = arith.mulf %mul3A_339, %add3A_338 : f32
    %add3A_341 = arith.addf %mul3A_313, %mul3A_340 : f32
    %add3A_342 = arith.addf %add3A_231, %add3A_341 : f32
    %broadcast_in_dim3A_343 = arith.constant 0.000000e+00 : f32
    %broadcast_in_dim3A_344 = vector.broadcast %broadcast_in_dim3A_343 : f32 to vector<1x1xf32>
    %add3A_345 = vector.broadcast %add3A_342 : f32 to vector<1x1xf32>
    %add3A_346 = arith.addf %broadcast_in_dim3A_344, %add3A_345 : vector<1x1xf32>
    %swap3A = arith.constant 0 : index
    %swap3A_347 = arith.constant 0 : index
    %swap3A_348 = vector.load %arg9[%swap3A, %swap3A_347] : memref<1x1xf32, #tpu.memory_space<vmem>>, vector<1x1xf32>
    tpu.vector_store %arg9[%swap3A, %swap3A_347], %add3A_346 {strides = array<i32>} : memref<1x1xf32, #tpu.memory_space<vmem>>, vector<1x1xf32>,
    return
  }
}

</mosaic_0001>

<sc_bundles>
// kernel: kernel.5.cloned.1.call-start
scs
__scs_entry_jumppad:
0x0: {  	(pc) =	sbr.rel $0x88, $3  }
0x1: {  	(tag) =	ssettag $0x0;
	lr =	simm.s32 $0x1  }
0x2: {  	[smem:$0x3F96] =	sst lr;
	_ =	strace $0xD0000000  }
0x3: {  	_ = 	snop  }
0x4: {  	_ = 	snop  }
0x5: {  	_ = 	snop  }
0x6: {  	_ = 	snop  }
0x7: {  	_ = 	snop  }
__scs_overlays_trampoline_lowered:
0x8: {  	[smem:$0x3FA5] =	sst s0  }
0x9: {  	[smem:$0x3FA6] =	sst s1  }
0xa: {  	[smem:$0x3FA7] =	sst s2  }
0xb: {  	[smem:$0x3FA8] =	sst s3  }
0xc: {  	[smem:$0x3FA9] =	sst s4  }
0xd: {  	[smem:$0x3FAA] =	sst s5  }
0xe: {  	[smem:$0x3FAB] =	sst s6  }
0xf: {  	[smem:$0x3FAC] =	sst s7  }
0x10: {  	[smem:$0x3FAD] =	sst s8  }
0x11: {  	[smem:$0x3FAE] =	sst s9;
	s0 =	simm.s32 @!p0 $0x0  }
0x12: {  	s1 =	sld [smem:$0x3F94];
	s0 =	simm.s32 @p0 $0x1  }
0x13: {  	[smem:$0x3FAF] =	sst s0;
	s0 =	simm.s32 @!p1 $0x0  }
0x14: {  	s2 =	sld [smem:$0x3F93];
	s0 =	simm.s32 @p1 $0x1  }
0x15: {  	[smem:$0x3FB0] =	sst s0;
	s0 =	simm.s32 @!p2 $0x0  }
0x16: {  	s3 =	sld [smem:$0x3FDB];
	s0 =	simm.s32 @p2 $0x1  }
0x17: {  	s4 =	simm.s32 $0x1BF5;
	[smem:$0x3FB2] =	sst s0  }
0x18: {  	s0 =	sld [smem:$0x3F95];
	_ =	swait.ge [sflag:s4], $0x0  }
0x19: {  	s7 =	sld [smem:$0x3F96]  }
0x1a: {  	s8 =	sadd.s32 $0xFFFFE003, lr  }
0x1b: {  	s9 =	sadd.s32 $0xFFFFFEF7, lr;
	s5 =	simm.s32 $0xFFFFFFFF;
	p2 =	slt.u32 s8, $0xFFFFF086  }
0x1c: {  	p1 =	slt.u32 s9, $0xF7A;
	s5 =	simm.s32 @!p2 $0x0  }
0x1d: {  	s5 =	simm.s32 @p1 $0x1;
	p0 =	seq.s32 s7, s2  }
0x1e: {  	s7 =	smul.u32 @!p0 $0xF7A, s2;
	p2 =	seq.s32 @!p0 s5, $0x0  }
0x1f: {  	s9 =	smul.u32 $0xF7A, s1;
	s8 =	simm.s32 @!p0 $0x1BF5;
	p2 =	por !p2, p0  }
0x20: {  	[sflag:s8] =	ssyncset.s32 @!p0 $0xFFFFF086;
	s6 =	sadd.s32 @!p0 s3, s7;
	s7 =	simm.s32 @!p0 $0x108  }
0x21: {  	s3 =	sadd.s32 s3, s9;
	s6 =	sadd.s32 @!p0 $0x88, s6;
	s7 =	simm.s32 @p2 $0x1082  }
0x22: {  	[simem:s7], [sflag:s8] =	dma.local @!p0 [hbm:s6], $0xF7A  }
0x23: {  	s9 =	sor.u32 $0xD0000000, s2;
	s6 =	simm.s32 $0x108;
	_ =	swait.ge @!p0 [sflag:s8], $0x0  }
0x24: {  	s3 =	sadd.s32 $0x88, s3;
	s6 =	simm.s32 @!p1 $0x1082;
	[sflag:s4] =	ssyncset.s32 $0xFFFFF086  }
0x25: {  	[simem:s6], [sflag:s4] =	dma.local [hbm:s3], $0xF7A  }
0x26: {  	[smem:$0x3F96] =	sst s1;
	(tag) =	ssettag s2;
	_ =	strace s9  }
0x27: {  	s1 =	sld [smem:$0x3FA6]  }
0x28: {  	s2 =	sld [smem:$0x3FA7]  }
0x29: {  	s4 =	sld [smem:$0x3FA9]  }
0x2a: {  	p0 =	seq.s32 s5, $0x0;
	s5 =	sld [smem:$0x3FAA]  }
0x2b: {  	s6 =	sld [smem:$0x3FAB]  }
0x2c: {  	s7 =	sld [smem:$0x3FAC]  }
0x2d: {  	s3 =	simm.s32 $0x108;
	s8 =	sld [smem:$0x3FAD]  }
0x2e: {  	s3 =	simm.s32 @!p0 $0x1082;
	s9 =	sld [smem:$0x3FAE]  }
0x2f: {  	lr =	sadd.s32 s0, s3;
	s0 =	sld [smem:$0x3FA5]  }
0x30: {  	s3 =	sld [smem:$0x3FA8]  }
0x31: {  	[smem:$0x3FB1] =	sst s10  }
0x32: {  	s10 =	sld [smem:$0x3FAF];
	_ =	sdelay $0x3  }
0x33: {  	p0 =	seq.s32 s10, $0x1;
	s10 =	sld [smem:$0x3FB1];
	_ =	sdelay $0x3  }
0x34: {  	[smem:$0x3FB1] =	sst s10  }
0x35: {  	s10 =	sld [smem:$0x3FB0];
	_ =	sdelay $0x3  }
0x36: {  	p1 =	seq.s32 s10, $0x1;
	s10 =	sld [smem:$0x3FB1];
	_ =	sdelay $0x3  }
0x37: {  	[smem:$0x3FB1] =	sst s10  }
0x38: {  	s10 =	sld [smem:$0x3FB2]  }
0x39: {  	_ = 	snop;
	(pc) =	sbr.ind lr, $3  }
0x3a: {  	_ = 	snop  }
0x3b: {  	_ = 	snop  }
0x3c: {  	p2 =	seq.s32 s10, $0x1;
	s10 =	sld [smem:$0x3FB1]  }
0x3d: {  	_ =	shalt  }
0x3e: {  	_ =	shalt  }
0x3f: {  	_ =	shalt  }
0x40: {  	_ =	shalt  }
0x41: {  	_ =	shalt  }
0x42: {  	_ =	shalt  }
0x43: {  	_ =	shalt  }
0x44: {  	_ =	shalt  }
0x45: {  	_ =	shalt  }
0x46: {  	_ =	shalt  }
0x47: {  	_ =	shalt  }
0x48: {  	_ =	shalt  }
0x49: {  	_ =	shalt  }
0x4a: {  	_ =	shalt  }
0x4b: {  	_ =	shalt  }
0x4c: {  	_ =	shalt  }
0x4d: {  	_ =	shalt  }
0x4e: {  	_ =	shalt  }
0x4f: {  	_ =	shalt  }
0x50: {  	_ =	shalt  }
0x51: {  	_ =	shalt  }
0x52: {  	_ =	shalt  }
0x53: {  	_ =	shalt  }
0x54: {  	_ =	shalt  }
0x55: {  	_ =	shalt  }
0x56: {  	_ =	shalt  }
0x57: {  	_ =	shalt  }
0x58: {  	_ =	shalt  }
0x59: {  	_ =	shalt  }
0x5a: {  	_ =	shalt  }
0x5b: {  	_ =	shalt  }
0x5c: {  	_ =	shalt  }
0x5d: {  	_ =	shalt  }
0x5e: {  	_ =	shalt  }
0x5f: {  	_ =	shalt  }
0x60: {  	_ =	shalt  }
0x61: {  	_ =	shalt  }
0x62: {  	_ =	shalt  }
0x63: {  	_ =	shalt  }
0x64: {  	_ =	shalt  }
0x65: {  	_ =	shalt  }
0x66: {  	_ =	shalt  }
0x67: {  	_ =	shalt  }
0x68: {  	_ =	shalt  }
0x69: {  	_ =	shalt  }
0x6a: {  	_ =	shalt  }
0x6b: {  	_ =	shalt  }
0x6c: {  	_ =	shalt  }
0x6d: {  	_ =	shalt  }
0x6e: {  	_ =	shalt  }
0x6f: {  	_ =	shalt  }
0x70: {  	_ =	shalt  }
0x71: {  	_ =	shalt  }
0x72: {  	_ =	shalt  }
0x73: {  	_ =	shalt  }
0x74: {  	_ =	shalt  }
0x75: {  	_ =	shalt  }
0x76: {  	_ =	shalt  }
0x77: {  	_ =	shalt  }
0x78: {  	_ =	shalt  }
0x79: {  	_ =	shalt  }
0x7a: {  	_ =	shalt  }
0x7b: {  	_ =	shalt  }
0x7c: {  	_ =	shalt  }
0x7d: {  	_ =	shalt  }
0x7e: {  	_ =	shalt  }
0x7f: {  	_ =	shalt  }
0x80: {  	_ =	shalt  }
0x81: {  	_ =	shalt  }
0x82: {  	_ =	shalt  }
0x83: {  	_ =	shalt  }
0x84: {  	_ =	shalt  }
0x85: {  	_ =	shalt  }
0x86: {  	_ =	shalt  }
0x87: {  	_ =	shalt  }
.Lfunc_end0:
.L_simem_size_0:
called_computation_lowered:
.L_overlay_start_0:
0x88: {  	s2 =	sld [smem:$0x3FD9]  }
0x89: {  	s3 =	sld [smem:$0x3FFE];
	_ =	sdelay $0x1  }
0x8a: {  	s1 =	srdreg.scid  }
0x8b: {  	s0 =	sand.u32 $0x1, s1  }
0x8c: {  	s17 =	sshll.u32 s0, $0xA;
	s2 =	sadd.s32 s3, s2  }
0x8d: {  	s2 =	sadd.s32 s2, s17  }
0x8e: {  	[smem:$0x3FBD] =	sst s2  }
0x8f: {  	_ = 	snop  }
0x90: {  	s2 =	sld [smem:$0x3FC9]  }
0x91: {  	s18 =	sld [smem:$0x3FC8]  }
0x92: {  	s4 =	sld [smem:$0x3FC7];
	(tm) =	ssettm $0x1  }
0x93: {  	s5 =	sld [smem:$0x3FFB];
	_ =	sdelay $0x3  }
0x94: {  	_ =	strace s5  }
0x95: {  	s5 =	sld [smem:$0x3FFC];
	_ =	sdelay $0x3  }
0x96: {  	_ =	strace s5  }
0x97: {  	s5 =	sld [smem:$0x3FFD];
	_ =	sdelay $0x3  }
0x98: {  	_ =	strace s5  }
0x99: {  	_ =	strace $0x8FFFFFFF  }
0x9a: {  	s19 =	sld [smem:$0x3FDB];
	_ =	sdelay $0x1  }
0x9b: {  	s6 =	simm.s32 $_scs_section_size  }
0x9c: {  	s7 =	simm.s32 $_size__tile_overlayer_lowered;
	s8 =	simm.s32 $_tile_overlayer_lowered  }
0x9d: {  	s22 =	simm.s32 $0x1BFF;
	s21 =	sshll.u32 s8, $0x1;
	s5 =	sadd.s32 s6, s19  }
0x9e: {  	s9 =	simm.s32 $0x0;
	s20 =	sshll.u32 s7, $0x1;
	s7 =	sadd.s32 s21, s5  }
0x9f: {  	[timem:s9], [sflag:s22] =	dma.local [hbm:s7], s20  }
0xa0: {  	_ =	swait.ge [sflag:s22], s20  }
0xa1: {  	s6 =	ssub.s32 $0x0, s20;
	[sflag:s22] =	ssyncset.done $0x0  }
0xa2: {  	[sflag:s22] =	ssyncadd.s32 s6;
	_ =	sdelay $0x1  }
0xa3: {  	s23 =	simm.s32 $0x1B8B  }
0xa4: {  	_ =	swait.ge [sflag:s23], $0x1  }
0xa5: {  	[sflag:s23] =	ssyncset.done $0x0  }
0xa6: {  	s25 =	simm.s32 $0x1B8E;
	s24 =	sld [smem:$0x3FFE];
	[sflag:s23] =	ssyncadd.s32 $0xFFFFFFFF  }
0xa7: {  	s26 =	simm.s32 $execute0_lowered;
	[smem:$0x3FD2] =	sst s25  }
0xa8: {  	s7 =	sshll.u32 s26, $0x1;
	_ =	strace $0x80000046;
	[dreg:$0x1] =	wrdreg $0xFFFFFFFF  }
0xa9: {  	s28 =	simm.s32 $_size_execute0_lowered;
	s5 =	sadd.s32 s5, s7;
	[dreg:$0x0] =	wrdreg $0x0  }
0xaa: {  	s7 =	sshll.u32 s28, $0x1;
	[dreg:$0x2] =	wrdreg s5  }
0xab: {  	[dreg:$0x3] =	wrdreg s7  }
0xac: {  	[dreg:$0x4] =	wrdreg $0xC0  }
0xad: {  	_ =	task [dreg:s9], $0x5FFFF  }
0xae: {  	[dreg:$0x1] =	wrdreg $0xFFFFFFFF  }
0xaf: {  	[dreg:$0x0] =	wrdreg $0x60  }
0xb0: {  	[dreg:$0x2] =	wrdreg s24  }
0xb1: {  	[dreg:$0x3] =	wrdreg s2  }
0xb2: {  	[dreg:$0x4] =	wrdreg s18  }
0xb3: {  	[dreg:$0x5] =	wrdreg s4  }
0xb4: {  	[dreg:$0x6] =	wrdreg $0x9  }
0xb5: {  	_ =	task.clear_ibuf [dreg:s9], $0x7FFFF;
	_ =	strace $0x90000046  }
0xb6: {  	s29 =	simm.s32 $0x9;
	_ =	strace $0x80000048  }
0xb7: {  	_ =	swait.ge [sflag:s29], $0x1  }
0xb8: {  	[sflag:s29] =	ssyncadd.s32 $0xFFFFFFFF  }
0xb9: {  	_ =	strace $0x90000048  }
0xba: {  	_ =	sfence  }
0xbb: {  	s30 =	sld [smem:$0x0];
	_ =	sdelay $0x2  }
0xbc: {  	s31 =	sshll.u32 s1, $0xD;
	s1 =	sshrl.u32 s1, $0x2  }
0xbd: {  	s3 =	sand.u32 $0x4000, s31;
	s1 =	sadd.s32 s1, s30  }
0xbe: {  	s0 =	sor.u32 s3, s0;
	s1 =	sshll.u32 s1, $0x11  }
0xbf: {  	s0 =	sor.u32 s1, s0  }
0xc0: {  	s0 =	sadd.s32 $0x8F2B, s0  }
0xc1: {  	[sflag:s0] =	ssyncadd.remote.s32 $0x1  }
0xc2: {  	_ =	sfence.sel $0xFFFF  }
0xc3: {  	[dreg:$0x0] =	wrdreg $0xFFFFFFFF;
	(pc) =	sbr.abs _section_cstart, $3  }
0xc4: {  	[dreg:$0x1] =	wrdreg $0xFFFFFFFF  }
0xc5: {  	_ =	task.clear_ibuf [dreg:s9], $0x2FFFF;
	_ =	strace $0x9FFFFFFF  }
0xc6: {  	(tm) =	ssettm $0x7FFFFFFF  }
0xc7: {  	_ =	shalt  }
tec
execute0_lowered:
.L_overlay_start_1:
0x0: {  	(tag) =	ssettag $0x1  }
0x1: {  	s26 =	rddreg [dreg:$0x0]  }
0x2: {  	s3 =	rddreg [dreg:$0x1]  }
0x3: {  	s7 =	rddreg [dreg:$0x2]  }
0x4: {  	s11 =	rddreg [dreg:$0x3]  }
0x5: {  	s0 =	srdreg.scid;
	s1 =	stileid.u32  }
0x6: {  	s2 =	simm.s32 $0x0;
	s0 =	sand.u32 $0x1, s0;
	s4 =	sshll.u32 s1, $0x1  }
0x7: {  	[smem:$0x7FF] =	sst s2;
	s28 =	sor.u32 s0, s4  }
0x8: {  	s25 =	sadd.s32 $0x24E200, s26;
	_ =	strace $0x80000047;
	s12 =	sshll.u32 s28, $0x4  }
0x9: {  	[dreg:$0x5] =	wrdreg s25;
	s4 =	sadd.s32 s3, s12;
	s3 =	simm.s32 $0x2  }
0xa: {  	[tilespmem:s2], [sflag:$0x2] =	stream.linear.gather [hbm4b:s4+s2], $0x80, $0x38;
	[tilespmem:$0x6798] =	vst v63  }
0xb: {  	_ =	swait.ge [sflag:s3], $0x80  }
0xc: {  	s13 =	sadd.s32 s28, s26;
	[sflag:s3] =	ssyncset.done $0x0  }
0xd: {  	s6 =	simm.s32 $0x180;
	s5 =	sadd.s32 $0x3E00, s13;
	[sflag:s3] =	ssyncadd.s32 $0xFFFFFF80  }
0xe: {  	[tilespmem:s6], [sflag:$0x2] =	stream.linear.gather [hbm4b:s5+s2], $0x8, $0x38;
	[tilespmem:$0x6798] =	vst v63  }
0xf: {  	_ =	swait.ge [sflag:s3], $0x8  }
0x10: {  	[sflag:s3] =	ssyncset.done $0x0  }
0x11: {  	s8 =	simm.s32 $0x80;
	s7 =	sadd.s32 s7, s12;
	[sflag:s3] =	ssyncadd.s32 $0xFFFFFFF8  }
0x12: {  	[tilespmem:s8], [sflag:$0x2] =	stream.linear.gather [hbm4b:s7+s2], $0x80, $0x38;
	[tilespmem:$0x6798] =	vst v63  }
0x13: {  	_ =	swait.ge [sflag:s3], $0x80  }
0x14: {  	[sflag:s3] =	ssyncset.done $0x0  }
0x15: {  	s10 =	simm.s32 $0x188;
	s9 =	sadd.s32 $0x3C00, s13;
	[sflag:s3] =	ssyncadd.s32 $0xFFFFFF80  }
0x16: {  	[tilespmem:s10], [sflag:$0x2] =	stream.linear.gather [hbm4b:s9+s2], $0x8, $0x38;
	[tilespmem:$0x6798] =	vst v63  }
0x17: {  	_ =	swait.ge [sflag:s3], $0x8  }
0x18: {  	[sflag:s3] =	ssyncset.done $0x0  }
0x19: {  	s11 =	sadd.s32 s11, s12;
	s12 =	simm.s32 $0x100;
	[sflag:s3] =	ssyncadd.s32 $0xFFFFFFF8  }
0x1a: {  	[tilespmem:s12], [sflag:$0x2] =	stream.linear.gather [hbm4b:s11+s2], $0x80, $0x38;
	[tilespmem:$0x6798] =	vst v63  }
0x1b: {  	_ =	swait.ge [sflag:s3], $0x80  }
0x1c: {  	[sflag:s3] =	ssyncset.done $0x0  }
0x1d: {  	s14 =	simm.s32 $0x190;
	s13 =	sadd.s32 $0x3A00, s13;
	[sflag:s3] =	ssyncadd.s32 $0xFFFFFF80  }
0x1e: {  	[tilespmem:s14], [sflag:$0x2] =	stream.linear.gather [hbm4b:s13+s2], $0x8, $0x38;
	[tilespmem:$0x6798] =	vst v63  }
0x1f: {  	_ =	swait.ge [sflag:s3], $0x8  }
0x20: {  	[sflag:s3] =	ssyncset.done $0x0  }
0x21: {  	s15 =	simm.s32 $0x198;
	s16 =	rddreg [dreg:$0x5];
	[sflag:s3] =	ssyncadd.s32 $0xFFFFFFF8  }
0x22: {  	[tilespmem:s15], [sflag:$0x1] =	stream.indirect.gather [hbm4b:s16+s8], $0x40, s2, s8, $0xb8;
	[tilespmem:$0x6798] =	vst v63  }
0x23: {  	s17 =	simm.s32 $0x8;
	s18 =	simm.s32 $0x6198;
	s16 =	sadd.s32 $0x4000, s26  }
0x24: {  	[tilespmem:s18], [sflag:$0x1] =	stream.indirect.gather [hbm4b:s16+s17], $0x40, s6, s17, $0xb8;
	[tilespmem:$0x6798] =	vst v63  }
0x25: {  	s19 =	simm.s32 $0x2198  }
0x26: {  	[tilespmem:s19], [sflag:$0x1] =	stream.indirect.gather [hbm4b:s16+s8], $0x40, s8, s8, $0xb8;
	[tilespmem:$0x6798] =	vst v63  }
0x27: {  	s21 =	simm.s32 $0x6398;
	s20 =	sadd.s32 $0x18AC00, s26  }
0x28: {  	[tilespmem:s21], [sflag:$0x1] =	stream.indirect.gather [hbm4b:s20+s17], $0x40, s10, s17, $0xb8;
	[tilespmem:$0x6798] =	vst v63  }
0x29: {  	s22 =	simm.s32 $0x4198  }
0x2a: {  	[tilespmem:s22], [sflag:$0x1] =	stream.indirect.gather [hbm4b:s20+s8], $0x40, s12, s8, $0xb8;
	[tilespmem:$0x6798] =	vst v63  }
0x2b: {  	s23 =	simm.s32 $0x6598;
	s24 =	simm.s32 $0x1  }
0x2c: {  	[tilespmem:s23], [sflag:$0x1] =	stream.indirect.gather [hbm4b:s20+s17], $0x40, s14, s17, $0xb8;
	[tilespmem:$0x6798] =	vst v63  }
0x2d: {  	_ =	swait.ge [sflag:s24], $0x2000  }
0x2e: {  	[sflag:s24] =	ssyncset.done $0x0  }
0x2f: {  	[sflag:s24] =	ssyncadd.s32 $0xFFFFE000  }
0x30: {  	_ =	swait.ge [sflag:s24], $0x200  }
0x31: {  	[sflag:s24] =	ssyncset.done $0x0  }
0x32: {  	[sflag:s24] =	ssyncadd.s32 $0xFFFFFE00  }
0x33: {  	_ =	swait.ge [sflag:s24], $0x2000  }
0x34: {  	[sflag:s24] =	ssyncset.done $0x0  }
0x35: {  	[sflag:s24] =	ssyncadd.s32 $0xFFFFE000  }
0x36: {  	_ =	swait.ge [sflag:s24], $0x200  }
0x37: {  	[sflag:s24] =	ssyncset.done $0x0  }
0x38: {  	[sflag:s24] =	ssyncadd.s32 $0xFFFFFE00  }
0x39: {  	_ =	swait.ge [sflag:s24], $0x2000  }
0x3a: {  	[sflag:s24] =	ssyncset.done $0x0  }
0x3b: {  	[sflag:s24] =	ssyncadd.s32 $0xFFFFE000  }
0x3c: {  	s25 =	sshll.u32 s28, $0xA;
	_ =	swait.ge [sflag:s24], $0x200  }
0x3d: {  	s30 =	sadd.s32 s25, s26;
	[sflag:s24] =	ssyncset.done $0x0  }
0x3e: {  	s25 =	sadd.s32 $0x6000, s30;
	[sflag:s24] =	ssyncadd.s32 $0xFFFFFE00  }
0x3f: {  	[hbm4b:s25+s2] =	stream.linear.scatter [tilespmem:s15], [sflag:$0x2], $0x2000, $0x38;
	[tilespmem:$0x6798] =	vst v63  }
0x40: {  	s28 =	sshll.u32 s28, $0x6;
	_ =	swait.ge [sflag:s3], $0x2000  }
0x41: {  	s31 =	sadd.s32 s28, s26;
	[sflag:s3] =	ssyncset.done $0x0  }
0x42: {  	s26 =	sadd.s32 $0x1E000, s31;
	[sflag:s3] =	ssyncadd.s32 $0xFFFFE000  }
0x43: {  	[hbm4b:s26+s2] =	stream.linear.scatter [tilespmem:s18], [sflag:$0x2], $0x200, $0x38;
	[tilespmem:$0x6798] =	vst v63  }
0x44: {  	_ =	swait.ge [sflag:s3], $0x200  }
0x45: {  	[sflag:s3] =	ssyncset.done $0x0  }
0x46: {  	s28 =	sadd.s32 $0xE000, s30;
	[sflag:s3] =	ssyncadd.s32 $0xFFFFFE00  }
0x47: {  	[hbm4b:s28+s2] =	stream.linear.scatter [tilespmem:s19], [sflag:$0x2], $0x2000, $0x38;
	[tilespmem:$0x6798] =	vst v63  }
0x48: {  	_ =	swait.ge [sflag:s3], $0x2000  }
0x49: {  	[sflag:s3] =	ssyncset.done $0x0  }
0x4a: {  	s0 =	ssub.s32 $0x2, s0;
	s29 =	sadd.s32 $0x1E800, s31;
	[sflag:s3] =	ssyncadd.s32 $0xFFFFE000  }
0x4b: {  	[hbm4b:s29+s2] =	stream.linear.scatter [tilespmem:s21], [sflag:$0x2], $0x200, $0x38;
	[tilespmem:$0x6798] =	vst v63  }
0x4c: {  	s1 =	sshrl.u32 s0, $0x1;
	_ =	swait.ge [sflag:s3], $0x200  }
0x4d: {  	s0 =	ssub.s32 s0, s1;
	[sflag:s3] =	ssyncset.done $0x0  }
0x4e: {  	s30 =	sadd.s32 $0x16000, s30;
	s0 =	smax.u32 s0, $0x1;
	[sflag:s3] =	ssyncadd.s32 $0xFFFFFE00  }
0x4f: {  	[hbm4b:s30+s2] =	stream.linear.scatter [tilespmem:s22], [sflag:$0x2], $0x2000, $0x38;
	[tilespmem:$0x6798] =	vst v63  }
0x50: {  	p0 =	sne.s32 s0, $0x1;
	_ =	swait.ge [sflag:s3], $0x2000  }
.Ltmp0:
0x51: {  	[sflag:s3] =	ssyncset.done $0x0;
	(pc) =	sbr.rel @!p0 .LBB2_2-.Ltmp0, $4  }
0x52: {  	s31 =	sadd.s32 $0x1F000, s31;
	[sflag:s3] =	ssyncadd.s32 $0xFFFFE000  }
0x53: {  	[hbm4b:s31+s2] =	stream.linear.scatter [tilespmem:s23], [sflag:$0x2], $0x200, $0x38;
	[tilespmem:$0x6798] =	vst v63  }
0x54: {  	_ =	swait.ge [sflag:s3], $0x200  }
0x55: {  	s0 =	sadd.s32 $0xFFFFFFFF, s0;
	[sflag:s3] =	ssyncset.done $0x0  }
.LBB2_1:
0x56: {  	[sflag:s3] =	ssyncadd.s32 $0xFFFFFE00  }
0x57: {  	[tilespmem:s2], [sflag:$0x2] =	stream.linear.gather [hbm4b:s4+s2], $0x80, $0x38;
	[tilespmem:$0x6798] =	vst v63  }
0x58: {  	_ =	swait.ge [sflag:s3], $0x80  }
0x59: {  	[sflag:s3] =	ssyncset.done $0x0  }
0x5a: {  	[sflag:s3] =	ssyncadd.s32 $0xFFFFFF80  }
0x5b: {  	[tilespmem:s6], [sflag:$0x2] =	stream.linear.gather [hbm4b:s5+s2], $0x8, $0x38;
	[tilespmem:$0x6798] =	vst v63  }
0x5c: {  	_ =	swait.ge [sflag:s3], $0x8  }
0x5d: {  	[sflag:s3] =	ssyncset.done $0x0  }
0x5e: {  	[sflag:s3] =	ssyncadd.s32 $0xFFFFFFF8  }
0x5f: {  	[tilespmem:s8], [sflag:$0x2] =	stream.linear.gather [hbm4b:s7+s2], $0x80, $0x38;
	[tilespmem:$0x6798] =	vst v63  }
0x60: {  	_ =	swait.ge [sflag:s3], $0x80  }
0x61: {  	[sflag:s3] =	ssyncset.done $0x0  }
0x62: {  	[sflag:s3] =	ssyncadd.s32 $0xFFFFFF80  }
0x63: {  	[tilespmem:s10], [sflag:$0x2] =	stream.linear.gather [hbm4b:s9+s2], $0x8, $0x38;
	[tilespmem:$0x6798] =	vst v63  }
0x64: {  	_ =	swait.ge [sflag:s3], $0x8  }
0x65: {  	[sflag:s3] =	ssyncset.done $0x0  }
0x66: {  	[sflag:s3] =	ssyncadd.s32 $0xFFFFFFF8  }
0x67: {  	[tilespmem:s12], [sflag:$0x2] =	stream.linear.gather [hbm4b:s11+s2], $0x80, $0x38;
	[tilespmem:$0x6798] =	vst v63  }
0x68: {  	_ =	swait.ge [sflag:s3], $0x80  }
0x69: {  	[sflag:s3] =	ssyncset.done $0x0  }
0x6a: {  	[sflag:s3] =	ssyncadd.s32 $0xFFFFFF80  }
0x6b: {  	[tilespmem:s14], [sflag:$0x2] =	stream.linear.gather [hbm4b:s13+s2], $0x8, $0x38;
	[tilespmem:$0x6798] =	vst v63  }
0x6c: {  	_ =	swait.ge [sflag:s3], $0x8  }
0x6d: {  	[sflag:s3] =	ssyncset.done $0x0  }
0x6e: {  	s1 =	rddreg [dreg:$0x5];
	[sflag:s3] =	ssyncadd.s32 $0xFFFFFFF8  }
0x6f: {  	[tilespmem:s15], [sflag:$0x1] =	stream.indirect.gather [hbm4b:s1+s8], $0x40, s2, s8, $0xb8;
	[tilespmem:$0x6798] =	vst v63  }
0x70: {  	_ = 	snop  }
0x71: {  	[tilespmem:s18], [sflag:$0x1] =	stream.indirect.gather [hbm4b:s16+s17], $0x40, s6, s17, $0xb8;
	[tilespmem:$0x6798] =	vst v63  }
0x72: {  	_ = 	snop  }
0x73: {  	[tilespmem:s19], [sflag:$0x1] =	stream.indirect.gather [hbm4b:s16+s8], $0x40, s8, s8, $0xb8;
	[tilespmem:$0x6798] =	vst v63  }
0x74: {  	_ = 	snop  }
0x75: {  	[tilespmem:s21], [sflag:$0x1] =	stream.indirect.gather [hbm4b:s20+s17], $0x40, s10, s17, $0xb8;
	[tilespmem:$0x6798] =	vst v63  }
0x76: {  	_ = 	snop  }
0x77: {  	[tilespmem:s22], [sflag:$0x1] =	stream.indirect.gather [hbm4b:s20+s8], $0x40, s12, s8, $0xb8;
	[tilespmem:$0x6798] =	vst v63  }
0x78: {  	_ = 	snop  }
0x79: {  	[tilespmem:s23], [sflag:$0x1] =	stream.indirect.gather [hbm4b:s20+s17], $0x40, s14, s17, $0xb8;
	[tilespmem:$0x6798] =	vst v63  }
0x7a: {  	_ =	swait.ge [sflag:s24], $0x2000  }
0x7b: {  	[sflag:s24] =	ssyncset.done $0x0  }
0x7c: {  	[sflag:s24] =	ssyncadd.s32 $0xFFFFE000  }
0x7d: {  	_ =	swait.ge [sflag:s24], $0x200  }
0x7e: {  	[sflag:s24] =	ssyncset.done $0x0  }
0x7f: {  	[sflag:s24] =	ssyncadd.s32 $0xFFFFFE00  }
0x80: {  	_ =	swait.ge [sflag:s24], $0x2000  }
0x81: {  	[sflag:s24] =	ssyncset.done $0x0  }
0x82: {  	[sflag:s24] =	ssyncadd.s32 $0xFFFFE000  }
0x83: {  	_ =	swait.ge [sflag:s24], $0x200  }
0x84: {  	[sflag:s24] =	ssyncset.done $0x0  }
0x85: {  	[sflag:s24] =	ssyncadd.s32 $0xFFFFFE00  }
0x86: {  	_ =	swait.ge [sflag:s24], $0x2000  }
0x87: {  	[sflag:s24] =	ssyncset.done $0x0  }
0x88: {  	[sflag:s24] =	ssyncadd.s32 $0xFFFFE000  }
0x89: {  	_ =	swait.ge [sflag:s24], $0x200  }
0x8a: {  	[sflag:s24] =	ssyncset.done $0x0  }
0x8b: {  	[sflag:s24] =	ssyncadd.s32 $0xFFFFFE00  }
0x8c: {  	[hbm4b:s25+s2] =	stream.linear.scatter [tilespmem:s15], [sflag:$0x2], $0x2000, $0x38;
	[tilespmem:$0x6798] =	vst v63  }
0x8d: {  	_ =	swait.ge [sflag:s3], $0x2000  }
0x8e: {  	[sflag:s3] =	ssyncset.done $0x0  }
0x8f: {  	[sflag:s3] =	ssyncadd.s32 $0xFFFFE000  }
0x90: {  	[hbm4b:s26+s2] =	stream.linear.scatter [tilespmem:s18], [sflag:$0x2], $0x200, $0x38;
	[tilespmem:$0x6798] =	vst v63  }
0x91: {  	_ =	swait.ge [sflag:s3], $0x200  }
0x92: {  	[sflag:s3] =	ssyncset.done $0x0  }
0x93: {  	[sflag:s3] =	ssyncadd.s32 $0xFFFFFE00  }
0x94: {  	[hbm4b:s28+s2] =	stream.linear.scatter [tilespmem:s19], [sflag:$0x2], $0x2000, $0x38;
	[tilespmem:$0x6798] =	vst v63  }
0x95: {  	_ =	swait.ge [sflag:s3], $0x2000  }
0x96: {  	[sflag:s3] =	ssyncset.done $0x0  }
0x97: {  	[sflag:s3] =	ssyncadd.s32 $0xFFFFE000  }
0x98: {  	[hbm4b:s29+s2] =	stream.linear.scatter [tilespmem:s21], [sflag:$0x2], $0x200, $0x38;
	[tilespmem:$0x6798] =	vst v63  }
0x99: {  	_ =	swait.ge [sflag:s3], $0x200  }
0x9a: {  	[sflag:s3] =	ssyncset.done $0x0  }
0x9b: {  	[sflag:s3] =	ssyncadd.s32 $0xFFFFFE00  }
0x9c: {  	[hbm4b:s30+s2] =	stream.linear.scatter [tilespmem:s22], [sflag:$0x2], $0x2000, $0x38;
	[tilespmem:$0x6798] =	vst v63  }
0x9d: {  	p0 =	sne.s32 s0, $0x1;
	_ =	swait.ge [sflag:s3], $0x2000  }
.Ltmp1:
0x9e: {  	[sflag:s3] =	ssyncset.done $0x0;
	(pc) =	sbr.rel @p0 .LBB2_1-.Ltmp1, $4  }
0x9f: {  	[sflag:s3] =	ssyncadd.s32 $0xFFFFE000  }
0xa0: {  	[hbm4b:s31+s2] =	stream.linear.scatter [tilespmem:s23], [sflag:$0x2], $0x200, $0x38;
	[tilespmem:$0x6798] =	vst v63  }
0xa1: {  	_ =	swait.ge [sflag:s3], $0x200  }
0xa2: {  	s0 =	sadd.s32 $0xFFFFFFFF, s0;
	[sflag:s3] =	ssyncset.done $0x0  }
.LBB2_2:
0xa3: {  	[sflag:s3] =	ssyncadd.s32 $0xFFFFFE00  }
0xa4: {  	_ =	sfence.sel $0x180000  }
0xa5: {  	[bflag:$0x0] =	sbarrier.arrive $0xFFFF  }
0xa6: {  	_ =	strace $0x90000047  }
0xa7: {  	s0 =	stileid.u32;
	[bflag:$0x2] =	sbarrier.arrive $0xFFFF  }
0xa8: {  	p0 =	sne.s32 s0, $0x0;
	s0 =	rddreg [dreg:$0x4]  }
0xa9: {  	s0 =	sadd.s32 @!p0 $0x100000, s0  }
0xaa: {  	[sflag:s0] =	ssyncadd.tile.s32 @!p0 $0x1;
	_ =	shalt  }
.Lfunc_end2:
_tile_overlayer_lowered:
.L_overlay_start_2:
0xab: {  	(tag) =	ssettag $0x2  }
0xac: {  	s0 =	rddreg [dreg:$0x0];
	s2 =	stileid.u32  }
0xad: {  	s1 =	rddreg [dreg:$0x1];
	p0 =	sne.s32 s2, $0x0  }
0xae: {  	s3 =	rddreg [dreg:$0x2];
	[bflag:$0x3] =	sbarrier.arrive $0xFFFF;
	s2 =	simm.s32 @!p0 $0x1C02  }
0xaf: {  	[timem:s3], [sflag:s2] =	dma.local @!p0 [hbm:s0], s1  }
0xb0: {  	s0 =	simm.s32 @!p0 $0x2  }
0xb1: {  	_ =	swait.ge @!p0 [sflag:s0], s1  }
0xb2: {  	s1 =	ssub.s32 @!p0 $0x0, s1;
	[sflag:s0] =	ssyncset.done @!p0 $0x0  }
0xb3: {  	[sflag:s0] =	ssyncadd.s32 @!p0 s1  }
0xb4: {  	[bflag:$0x3] =	sbarrier.arrive $0xFFFF  }
0xb5: {  	_ =	shalt  }

</sc_bundles>
